<compile_context>
chip_gen: v7x
topology: tpu7x:2x2x1
jax: 0.10.2.dev20260603
libtpu: 0.0.44.dev20260713+nightly
codegen_flags: <defaults>
</compile_context>

<pallas_src>
import functools

import jax
import jax.numpy as jnp
from jax import lax
from jax.experimental import pallas as pl
from jax.experimental.pallas import tpu as pltpu
from jax.experimental.pallas import tpu_sc as plsc

B = 4
N = 2048
K = 30
DN = 256
DE = 128
E = B * N * K


_RA = 512


def _sp(x):
    return jnp.maximum(x, 0.0) + jnp.log(1.0 + jnp.exp(-jnp.abs(x)))


def _node_feat_body(nf_ref, c_ref, wn_ref, bn_ref, w1_ref, w2_ref, bm_ref,
                    nh_ref, p1_ref, p2a_ref, p2b_ref, mi_ref):
    mask = (c_ref[...] > 0).astype(jnp.float32)
    nh = _sp(jnp.dot(nf_ref[...], wn_ref[...],
                     preferred_element_type=jnp.float32) + bn_ref[...])
    nh = nh * mask
    nh_ref[...] = nh
    p1_ref[...] = jnp.dot(nh, w1_ref[...],
                          preferred_element_type=jnp.float32) + bm_ref[...]
    p2 = jnp.dot(nh, w2_ref[...], preferred_element_type=jnp.float32)
    p2a_ref[...] = p2[:, :DE]
    p2b_ref[...] = p2[:, DE:]
    mi_ref[...] = mask


def _node_feat(nf, c32, W_node, b_node, W1, W2, b_msg):
    nblk = (B * N) // _RA
    full = lambda s: pl.BlockSpec(s, lambda i: (0, 0))
    return pl.pallas_call(
        _node_feat_body,
        grid=(nblk,),
        in_specs=[
            pl.BlockSpec((_RA, 16), lambda i: (i, 0)),
            pl.BlockSpec((_RA, 1), lambda i: (i, 0)),
            full((16, DN)),
            full((1, DN)),
            full((DN, DN)),
            full((DN, DN)),
            full((1, DN)),
        ],
        out_specs=[
            pl.BlockSpec((_RA, DN), lambda i: (i, 0)),
            pl.BlockSpec((_RA, DN), lambda i: (i, 0)),
            pl.BlockSpec((_RA, DE), lambda i: (i, 0)),
            pl.BlockSpec((_RA, DE), lambda i: (i, 0)),
            pl.BlockSpec((_RA, 1), lambda i: (i, 0)),
        ],
        out_shape=[
            jax.ShapeDtypeStruct((B * N, DN), jnp.float32),
            jax.ShapeDtypeStruct((B * N, DN), jnp.float32),
            jax.ShapeDtypeStruct((B * N, DE), jnp.float32),
            jax.ShapeDtypeStruct((B * N, DE), jnp.float32),
            jax.ShapeDtypeStruct((B * N, 1), jnp.float32),
        ],
    )(nf, c32, W_node, b_node, W1, W2, b_msg)



_RB = 256


def _topk_body(cxr, cyr, czr, cxc, cyc, czc, mc_ref, cc_ref,
               d_ref, i_ref, f_ref, cj_ref):
    b = pl.program_id(0)
    ib = pl.program_id(1)
    xr = cxr[0]
    yr = cyr[0]
    zr = czr[0]
    xc = cxc[0]
    yc = cyc[0]
    zc = czc[0]
    dx = xr - xc
    dy = yr - yc
    dz = zr - zc
    D = jnp.sqrt(dx * dx + dy * dy + dz * dz + 1e-8)
    col = lax.broadcasted_iota(jnp.int32, (1, N), 1)
    row = ib * _RB + lax.broadcasted_iota(jnp.int32, (_RB, 1), 0)
    D = D + jnp.where(row == col, 1e6, 0.0).astype(jnp.float32)
    D = D + (1.0 - mc_ref[0]) * 1e6
    col4 = col * 4 + cc_ref[0]
    big = jnp.int32(4 * N)
    inf = jnp.float32(jnp.inf)
    H = N // 2
    ha = D[:, :H]
    hb = D[:, H:]
    ia = col4[:, :H]
    ib2 = col4[:, H:]
    ale = ha <= hb
    Dp = jnp.where(ale, ha, hb)
    Ds = jnp.where(ale, hb, ha)
    Ip = jnp.where(ale, ia, ib2)
    Is = jnp.where(ale, ib2, ia)
    colp = lax.broadcasted_iota(jnp.int32, (1, H), 1)
    ds, js, cs = [], [], []
    for _ in range(K):
        m = jnp.min(Dp, axis=1, keepdims=True)
        cand = jnp.where(Dp == m, Ip, big)
        j4 = jnp.min(cand, axis=1, keepdims=True)
        j = jnp.right_shift(j4, 2)
        ds.append(m)
        js.append(j)
        cs.append(jnp.bitwise_and(j4, 3))
        sel = colp == jnp.bitwise_and(j, jnp.int32(H - 1))
        Dp = jnp.where(sel, Ds, Dp)
        Ip = jnp.where(sel, Is, Ip)
        Ds = jnp.where(sel, inf, Ds)
    d_ref[0] = jnp.concatenate(ds, axis=1)
    i_out = jnp.concatenate(js, axis=1)
    i_ref[0] = i_out
    f_ref[0] = i_out + b * N
    cj_ref[0] = jnp.concatenate(cs, axis=1)


def _topk(centroid, mask_i, c32):
    cr = [centroid[:, :, a:a + 1] for a in range(3)]
    cc = [jnp.transpose(centroid[:, :, a:a + 1], (0, 2, 1)) for a in range(3)]
    mc = mask_i[:, None, :]
    ccol = c32[:, None, :]
    nblk = N // _RB
    rspec = pl.BlockSpec((1, _RB, 1), lambda b, i: (b, i, 0))
    cspec = pl.BlockSpec((1, 1, N), lambda b, i: (b, 0, 0))
    ospec = pl.BlockSpec((1, _RB, K), lambda b, i: (b, i, 0))
    return pl.pallas_call(
        _topk_body,
        grid=(B, nblk),
        in_specs=[rspec, rspec, rspec, cspec, cspec, cspec, cspec, cspec],
        out_specs=[ospec, ospec, ospec, ospec],
        out_shape=[
            jax.ShapeDtypeStruct((B, N, K), jnp.float32),
            jax.ShapeDtypeStruct((B, N, K), jnp.int32),
            jax.ShapeDtypeStruct((B, N, K), jnp.int32),
            jax.ShapeDtypeStruct((B, N, K), jnp.int32),
        ],
    )(cr[0], cr[1], cr[2], cc[0], cc[1], cc[2], mc, ccol)



_CH = 128


def _sc_gather(p2a, p2b, eidx):
    info = plsc.get_sparse_core_info()
    nw = info.num_cores * info.num_subcores
    per_w = E // nw
    nch = per_w // _CH
    mesh = plsc.VectorSubcoreMesh(core_axis_name="c", subcore_axis_name="s")

    @functools.partial(
        pl.kernel,
        mesh=mesh,
        out_type=[
            jax.ShapeDtypeStruct((E, DE), jnp.float32),
            jax.ShapeDtypeStruct((E, DE), jnp.float32),
        ],
        scratch_types=[
            pltpu.VMEM((_CH,), jnp.int32),
            pltpu.VMEM((_CH,), jnp.int32),
            pltpu.VMEM((_CH, DE), jnp.float32),
            pltpu.VMEM((_CH, DE), jnp.float32),
            pltpu.VMEM((_CH, DE), jnp.float32),
            pltpu.VMEM((_CH, DE), jnp.float32),
            pltpu.SemaphoreType.DMA,
            pltpu.SemaphoreType.DMA,
            pltpu.SemaphoreType.DMA,
            pltpu.SemaphoreType.DMA,
        ],
    )
    def k(p2a_hbm, p2b_hbm, eidx_hbm, g0_hbm, g1_hbm,
          idxa, idxb, ra0, ra1, rb0, rb1, sga, sgb, swa, swb):
        wid = lax.axis_index("s") * info.num_cores + lax.axis_index("c")
        base = wid * per_w

        def body(t2, carry):
            offa = base + t2 * 2 * _CH
            offb = offa + _CH
            pltpu.sync_copy(eidx_hbm.at[pl.ds(offa, _CH)], idxa)
            ga0 = pltpu.async_copy(p2a_hbm.at[idxa], ra0, sga)
            ga1 = pltpu.async_copy(p2b_hbm.at[idxa], ra1, sga)
            pltpu.sync_copy(eidx_hbm.at[pl.ds(offb, _CH)], idxb)
            gb0 = pltpu.async_copy(p2a_hbm.at[idxb], rb0, sgb)
            gb1 = pltpu.async_copy(p2b_hbm.at[idxb], rb1, sgb)
            ga0.wait()
            ga1.wait()
            wa0 = pltpu.async_copy(ra0, g0_hbm.at[pl.ds(offa, _CH)], swa)
            wa1 = pltpu.async_copy(ra1, g1_hbm.at[pl.ds(offa, _CH)], swa)
            gb0.wait()
            gb1.wait()
            wb0 = pltpu.async_copy(rb0, g0_hbm.at[pl.ds(offb, _CH)], swb)
            wb1 = pltpu.async_copy(rb1, g1_hbm.at[pl.ds(offb, _CH)], swb)
            wa0.wait()
            wa1.wait()
            wb0.wait()
            wb1.wait()
            return carry

        lax.fori_loop(0, nch // 2, body, 0)

    return k(p2a, p2b, eidx)



_RD = 64
_ED = _RD * K

_SIGMA = 20.0 / 16.0


def _edge_msg_body(d1, cjr, crep, mrep, mi, nh, p1, g0, g1,
                   we_ref, be_ref, w3_ref, cen_ref, sel_ref, selt_ref,
                   eh_ref, mij_ref, no_ref):
    inv = jnp.float32(1.0 / (2.0 * _SIGMA * _SIGMA))
    dd = d1[...] - cen_ref[...]
    rbf = jnp.exp(-(dd * dd) * inv)
    cj = cjr[...]
    same = (crep[...] == cj).astype(jnp.float32)
    we = we_ref[...]
    pre = (jnp.dot(rbf, we[:16, :], preferred_element_type=jnp.float32)
           + same * we[16:17, :] + be_ref[...])
    m_row = mrep[...] * (cj > 0).astype(jnp.float32)
    eh = _sp(pre) * m_row
    eh_ref[...] = eh
    mij_ref[...] = m_row
    sel = sel_ref[...]
    selt = selt_ref[...]
    w3 = w3_ref[...]
    denom = jnp.dot(sel, m_row, preferred_element_type=jnp.float32) + 1e-6
    hi = mi[...]
    for h, gh in ((0, g0), (1, g1)):
        lo = h * DE
        e3 = jnp.dot(eh, w3[:, lo:lo + DE],
                     preferred_element_type=jnp.float32)
        p1b = jnp.dot(selt, p1[:, lo:lo + DE],
                      preferred_element_type=jnp.float32)
        msg = _sp(p1b + gh[...] + e3) * m_row
        msum = jnp.dot(sel, msg, preferred_element_type=jnp.float32)
        no_ref[:, lo:lo + DE] = (nh[:, lo:lo + DE] + msum / denom) * hi


def _edge_msg(d1, cjr, crep, mrep, mi, nh, p1, g0, g1, W_edge, b_edge, W3):
    nblk = (B * N) // _RD
    rs = lambda w: pl.BlockSpec((_RD, w), lambda i: (i, 0))
    es = lambda w: pl.BlockSpec((_ED, w), lambda i: (i, 0))
    full = lambda s: pl.BlockSpec(s, lambda i: (0, 0))
    centers = jnp.linspace(0.0, 20.0, 16).astype(jnp.float32).reshape(1, 16)
    node_of_e = jnp.arange(_ED, dtype=jnp.int32) // K
    sel = (node_of_e[None, :] == jnp.arange(_RD, dtype=jnp.int32)[:, None]
           ).astype(jnp.float32)
    selt = jnp.transpose(sel)
    return pl.pallas_call(
        _edge_msg_body,
        grid=(nblk,),
        in_specs=[
            es(1),
            es(1),
            es(1),
            es(1),
            rs(1),
            rs(DN),
            rs(DN),
            es(DE),
            es(DE),
            full((17, DE)),
            full((1, DE)),
            full((DE, DN)),
            full((1, 16)),
            full((_RD, _ED)),
            full((_ED, _RD)),
        ],
        out_specs=[es(DE), es(1), rs(DN)],
        out_shape=[
            jax.ShapeDtypeStruct((E, DE), jnp.float32),
            jax.ShapeDtypeStruct((E, 1), jnp.float32),
            jax.ShapeDtypeStruct((B * N, DN), jnp.float32),
        ],
    )(d1, cjr, crep, mrep, mi, nh, p1, g0, g1, W_edge, b_edge, W3, centers,
      sel, selt)




def kernel(X, C, W_node, b_node, W_edge, b_edge, W_msg, b_msg):
    c32 = C.astype(jnp.int32)
    nf = X.reshape(B, N, 12).reshape(B * N, 12)
    nf = jnp.pad(nf, ((0, 0), (0, 4)))
    Wn = jnp.pad(W_node, ((0, 4), (0, 0)))
    W1 = W_msg[0:DN]
    W2 = W_msg[DN:2 * DN]
    W3 = W_msg[2 * DN:]

    nh, p1, p2a, p2b, mi_col = _node_feat(
        nf, c32.reshape(B * N, 1), Wn, b_node.reshape(1, DN),
        W1, W2, b_msg.reshape(1, DN))

    centroid = X.mean(axis=2)
    mask_i = mi_col.reshape(B, N)
    d_ij, edge_idx, eidx_flat, cj = _topk(centroid, mask_i, c32)

    g0, g1 = _sc_gather(p2a, p2b, eidx_flat.reshape(E))

    d1 = d_ij.reshape(E, 1)
    cjr = cj.reshape(E, 1)
    crep = jnp.broadcast_to(
        c32.reshape(B * N, 1, 1), (B * N, K, 1)).reshape(E, 1)
    mrep = jnp.broadcast_to(
        mi_col.reshape(B * N, 1, 1), (B * N, K, 1)).reshape(E, 1)

    eh, mij, no = _edge_msg(d1, cjr, crep, mrep, mi_col, nh, p1, g0, g1,
                            W_edge, b_edge.reshape(1, DE), W3)

    return (no.reshape(B, N, DN), eh.reshape(B, N, K, DE), edge_idx,
            mask_i, mij.reshape(B, N, K))

# --- scband reference (transcript-rebuilt; emitter-appended) ---
"""Pipeline reference for scband-flow-model-25211458027675 (READ-ONLY COPY).

The authoritative reference and input builder live on the scoring server;
editing this copy changes nothing except your own understanding.
"""

import jax, jax.numpy as jnp
import numpy as np

DIM_NODES = 256
DIM_EDGES = 128
K = 30
B, N = 4, 2048


def setup_inputs(seed: int = 0) -> dict:
    key = jax.random.key(seed)
    k1, k2, k3, k4, k5, k6 = jax.random.split(key, 6)
    X = jax.random.normal(k1, (B, N, 4, 3), dtype=jnp.float32) * 10.0
    C = jax.random.randint(k2, (B, N), 0, 4).astype(jnp.int64)
    W_node = jax.random.normal(k3, (12, DIM_NODES), dtype=jnp.float32) * 0.05
    b_node = jnp.zeros((DIM_NODES,), dtype=jnp.float32)
    W_edge = jax.random.normal(k4, (17, DIM_EDGES), dtype=jnp.float32) * 0.05
    b_edge = jnp.zeros((DIM_EDGES,), dtype=jnp.float32)
    W_msg = jax.random.normal(k5, (2 * DIM_NODES + DIM_EDGES, DIM_NODES), dtype=jnp.float32) * 0.05
    b_msg = jnp.zeros((DIM_NODES,), dtype=jnp.float32)
    return {"X": X, "C": C, "W_node": W_node, "b_node": b_node,
            "W_edge": W_edge, "b_edge": b_edge, "W_msg": W_msg, "b_msg": b_msg}


def reference(X, C, W_node, b_node, W_edge, b_edge, W_msg, b_msg):
    # BackboneEncoderGNN-style forward: build kNN residue graph from backbone
    # coordinates, featurize nodes (internal coords) and edges (distance RBFs +
    # chain map), then one softplus message-passing update.
    mask_i = (C > 0).astype(jnp.float32)  # (B, N)

    # Centroid distances (graph_distance_atom_type = -1 -> centroid)
    centroid = X.mean(axis=2)  # (B, N, 3)
    diff = centroid[:, :, None, :] - centroid[:, None, :, :]
    D = jnp.sqrt(jnp.sum(diff * diff, axis=-1) + 1e-8)  # (B, N, N)
    D = D + jnp.eye(N, dtype=D.dtype)[None] * 1e6  # exclude self
    D = D + (1.0 - mask_i[:, None, :]) * 1e6  # exclude masked nodes

    # kNN graph (graph_criterion = 'knn', num_neighbors = K)
    neg_d, edge_idx = jax.lax.top_k(-D, K)  # (B, N, K)
    d_ij = -neg_d

    mask_j = jax.vmap(lambda m, idx: m[idx])(mask_i, edge_idx)
    mask_ij = mask_i[:, :, None] * mask_j  # (B, N, K)

    # Edge features: 16 distance RBFs + same-chain indicator
    centers = jnp.linspace(0.0, 20.0, 16)
    sigma = 20.0 / 16.0
    rbf = jnp.exp(-((d_ij[..., None] - centers) ** 2) / (2.0 * sigma * sigma))
    C_j = jax.vmap(lambda c, idx: c[idx])(C, edge_idx)
    same_chain = (C[:, :, None] == C_j).astype(jnp.float32)[..., None]
    e_feat = jnp.concatenate([rbf, same_chain], axis=-1)  # (B, N, K, 17)

    # Node features: flattened backbone internal coordinates
    node_feat = X.reshape(B, N, 12)
    node_h = jax.nn.softplus(node_feat @ W_node + b_node) * mask_i[..., None]
    edge_h = jax.nn.softplus(e_feat @ W_edge + b_edge) * mask_ij[..., None]

    # One message-passing layer (softplus MLP activation, mean aggregation)
    h_j = jax.vmap(lambda h, idx: h[idx])(node_h, edge_idx)  # gather (B, N, K, D)
    h_i = jnp.broadcast_to(node_h[:, :, None, :], (B, N, K, DIM_NODES))
    msg_in = jnp.concatenate([h_i, h_j, edge_h], axis=-1)
    msg = jax.nn.softplus(msg_in @ W_msg + b_msg) * mask_ij[..., None]
    agg = msg.sum(axis=2) / (mask_ij.sum(axis=2, keepdims=True) + 1e-6)
    node_h = (node_h + agg) * mask_i[..., None]

    return (node_h, edge_h, edge_idx, mask_i, mask_ij)

if __name__ == "__main__":
    import jax
    _d = setup_inputs()
    print(jax.jit(kernel)(*tuple(_d.values())))

</pallas_src>

<mosaic_0001>
#map = affine_map<(d0, d1) -> (0, 0)>
#map1 = affine_map<(d0, d1) -> (0)>
module attributes {stable_mosaic.version = 14 : i64} {
  func.func @k(%arg0: i32, %arg1: i32, %arg2: memref<8192x128xf32, #tpu.memory_space<hbm>>, %arg3: memref<8192x128xf32, #tpu.memory_space<hbm>>, %arg4: memref<245760xi32, #tpu.memory_space<hbm>>, %arg5: memref<245760x128xf32, #tpu.memory_space<hbm>>, %arg6: memref<245760x128xf32, #tpu.memory_space<hbm>>, %arg7: memref<128xi32, #tpu.memory_space<vmem>>, %arg8: memref<128xi32, #tpu.memory_space<vmem>>, %arg9: memref<128x128xf32, #tpu.memory_space<vmem>>, %arg10: memref<128x128xf32, #tpu.memory_space<vmem>>, %arg11: memref<128x128xf32, #tpu.memory_space<vmem>>, %arg12: memref<128x128xf32, #tpu.memory_space<vmem>>, %arg13: memref<!tpu.dma_semaphore, #tpu.memory_space<semaphore_mem>>, %arg14: memref<!tpu.dma_semaphore, #tpu.memory_space<semaphore_mem>>, %arg15: memref<!tpu.dma_semaphore, #tpu.memory_space<semaphore_mem>>, %arg16: memref<!tpu.dma_semaphore, #tpu.memory_space<semaphore_mem>>) attributes {dimension_semantics = [#tpu.dimension_semantics<core_parallel>, #tpu.dimension_semantics<subcore_parallel>], iteration_bounds = array<i64: 2, 16>, scalar_prefetch = 0 : i64, scratch_operands = 10 : i64, tpu.core_type = #tpu.core_type<sc_vector_subcore>, window_params = [{transform_indices = #map}, {transform_indices = #map}, {transform_indices = #map1}, {transform_indices = #map}, {transform_indices = #map}]} {
    %mul3A = arith.constant 2 : i32
    %mul3A_0 = arith.muli %arg1, %mul3A : i32
    %add3A = arith.addi %mul3A_0, %arg0 : i32
    %mul3A_1 = arith.constant 7680 : i32
    %mul3A_2 = arith.muli %add3A, %mul3A_1 : i32
    %scan3A = arith.constant 0 : i32
    %scan3A_3 = arith.constant 0 : i32
    %scan3A_4 = arith.constant 30 : i32
    %scan3A_5 = arith.addi %scan3A_3, %scan3A_4 : i32
    %scan3A_6 = arith.constant 1 : i32
    scf.for %scan3A_8 = %scan3A_3 to %scan3A_5 step %scan3A_6  : i32 {
      %mul3A_9 = arith.constant 2 : i32
      %mul3A_10 = arith.muli %scan3A_8, %mul3A_9 : i32
      %mul3A_11 = arith.constant 128 : i32
      %mul3A_12 = arith.muli %mul3A_10, %mul3A_11 : i32
      %add3A_13 = arith.addi %mul3A_2, %mul3A_12 : i32
      %add3A_14 = arith.constant 128 : i32
      %add3A_15 = arith.addi %add3A_13, %add3A_14 : i32
      "tpu.region"() ({
        %run_scoped3A = tpu.sem_alloc : memref<!tpu.dma_semaphore, #tpu.memory_space<semaphore_mem>>
        %dma_start3A_70 = tpu.memref_slice %arg4[%add3A_13] : memref<245760xi32, #tpu.memory_space<hbm>> -> memref<128xi32, #tpu.memory_space<hbm>>
        %dma_start3A_71 = tpu.memref_slice %arg4[%add3A_13] : memref<245760xi32, #tpu.memory_space<hbm>> -> memref<128xi32, #tpu.memory_space<hbm>>
        tpu.enqueue_dma source(%dma_start3A_71 : memref<128xi32, #tpu.memory_space<hbm>>) target(%arg7 : memref<128xi32, #tpu.memory_space<vmem>>) target_semaphore(%run_scoped3A : memref<!tpu.dma_semaphore, #tpu.memory_space<semaphore_mem>>)
        %dma_wait3A_72 = tpu.memref_slice %arg4[%add3A_13] : memref<245760xi32, #tpu.memory_space<hbm>> -> memref<128xi32, #tpu.memory_space<hbm>>
        %dma_wait3A_73 = tpu.memref_slice %arg4[%add3A_13] : memref<245760xi32, #tpu.memory_space<hbm>> -> memref<128xi32, #tpu.memory_space<hbm>>
        tpu.wait_dma2 semaphore(%run_scoped3A : memref<!tpu.dma_semaphore, #tpu.memory_space<semaphore_mem>>) src(%dma_wait3A_73 : memref<128xi32, #tpu.memory_space<hbm>>) dst(%arg7 : memref<128xi32, #tpu.memory_space<vmem>>)
        tpu.yield
      }) : () -> ()
      %dma_start3A = arith.constant 0 : i32
      %dma_start3A_16 = arith.constant 0 : i32
      %dma_start3A_17 = tpu.memref_slice %arg2[%dma_start3A, %dma_start3A_16] : memref<8192x128xf32, #tpu.memory_space<hbm>> -> memref<8192x128xf32, #tpu.memory_space<hbm>>
      tpu.enqueue_indirect_dma source(%dma_start3A_17 : memref<8192x128xf32, #tpu.memory_space<hbm>>) target(%arg9 : memref<128x128xf32, #tpu.memory_space<vmem>>) offsets(%arg7 : memref<128xi32, #tpu.memory_space<vmem>>) semaphore(%arg13 : memref<!tpu.dma_semaphore, #tpu.memory_space<semaphore_mem>>)
      %dma_start3A_18 = arith.constant 0 : i32
      %dma_start3A_19 = arith.constant 0 : i32
      %dma_start3A_20 = tpu.memref_slice %arg3[%dma_start3A_18, %dma_start3A_19] : memref<8192x128xf32, #tpu.memory_space<hbm>> -> memref<8192x128xf32, #tpu.memory_space<hbm>>
      tpu.enqueue_indirect_dma source(%dma_start3A_20 : memref<8192x128xf32, #tpu.memory_space<hbm>>) target(%arg10 : memref<128x128xf32, #tpu.memory_space<vmem>>) offsets(%arg7 : memref<128xi32, #tpu.memory_space<vmem>>) semaphore(%arg13 : memref<!tpu.dma_semaphore, #tpu.memory_space<semaphore_mem>>)
      "tpu.region"() ({
        %run_scoped3A = tpu.sem_alloc : memref<!tpu.dma_semaphore, #tpu.memory_space<semaphore_mem>>
        %dma_start3A_70 = tpu.memref_slice %arg4[%add3A_15] : memref<245760xi32, #tpu.memory_space<hbm>> -> memref<128xi32, #tpu.memory_space<hbm>>
        %dma_start3A_71 = tpu.memref_slice %arg4[%add3A_15] : memref<245760xi32, #tpu.memory_space<hbm>> -> memref<128xi32, #tpu.memory_space<hbm>>
        tpu.enqueue_dma source(%dma_start3A_71 : memref<128xi32, #tpu.memory_space<hbm>>) target(%arg8 : memref<128xi32, #tpu.memory_space<vmem>>) target_semaphore(%run_scoped3A : memref<!tpu.dma_semaphore, #tpu.memory_space<semaphore_mem>>)
        %dma_wait3A_72 = tpu.memref_slice %arg4[%add3A_15] : memref<245760xi32, #tpu.memory_space<hbm>> -> memref<128xi32, #tpu.memory_space<hbm>>
        %dma_wait3A_73 = tpu.memref_slice %arg4[%add3A_15] : memref<245760xi32, #tpu.memory_space<hbm>> -> memref<128xi32, #tpu.memory_space<hbm>>
        tpu.wait_dma2 semaphore(%run_scoped3A : memref<!tpu.dma_semaphore, #tpu.memory_space<semaphore_mem>>) src(%dma_wait3A_73 : memref<128xi32, #tpu.memory_space<hbm>>) dst(%arg8 : memref<128xi32, #tpu.memory_space<vmem>>)
        tpu.yield
      }) : () -> ()
      %dma_start3A_21 = arith.constant 0 : i32
      %dma_start3A_22 = arith.constant 0 : i32
      %dma_start3A_23 = tpu.memref_slice %arg2[%dma_start3A_21, %dma_start3A_22] : memref<8192x128xf32, #tpu.memory_space<hbm>> -> memref<8192x128xf32, #tpu.memory_space<hbm>>
      tpu.enqueue_indirect_dma source(%dma_start3A_23 : memref<8192x128xf32, #tpu.memory_space<hbm>>) target(%arg11 : memref<128x128xf32, #tpu.memory_space<vmem>>) offsets(%arg8 : memref<128xi32, #tpu.memory_space<vmem>>) semaphore(%arg14 : memref<!tpu.dma_semaphore, #tpu.memory_space<semaphore_mem>>)
      %dma_start3A_24 = arith.constant 0 : i32
      %dma_start3A_25 = arith.constant 0 : i32
      %dma_start3A_26 = tpu.memref_slice %arg3[%dma_start3A_24, %dma_start3A_25] : memref<8192x128xf32, #tpu.memory_space<hbm>> -> memref<8192x128xf32, #tpu.memory_space<hbm>>
      tpu.enqueue_indirect_dma source(%dma_start3A_26 : memref<8192x128xf32, #tpu.memory_space<hbm>>) target(%arg12 : memref<128x128xf32, #tpu.memory_space<vmem>>) offsets(%arg8 : memref<128xi32, #tpu.memory_space<vmem>>) semaphore(%arg14 : memref<!tpu.dma_semaphore, #tpu.memory_space<semaphore_mem>>)
      %dma_wait3A = arith.constant 0 : i32
      %dma_wait3A_27 = arith.constant 0 : i32
      %dma_wait3A_28 = tpu.memref_slice %arg2[%dma_wait3A, %dma_wait3A_27] : memref<8192x128xf32, #tpu.memory_space<hbm>> -> memref<8192x128xf32, #tpu.memory_space<hbm>>
      tpu.wait_indirect_dma semaphore(%arg13 : memref<!tpu.dma_semaphore, #tpu.memory_space<semaphore_mem>>) src(%dma_wait3A_28 : memref<8192x128xf32, #tpu.memory_space<hbm>>) dst(%arg9 : memref<128x128xf32, #tpu.memory_space<vmem>>)
      %dma_wait3A_29 = arith.constant 0 : i32
      %dma_wait3A_30 = arith.constant 0 : i32
      %dma_wait3A_31 = tpu.memref_slice %arg3[%dma_wait3A_29, %dma_wait3A_30] : memref<8192x128xf32, #tpu.memory_space<hbm>> -> memref<8192x128xf32, #tpu.memory_space<hbm>>
      tpu.wait_indirect_dma semaphore(%arg13 : memref<!tpu.dma_semaphore, #tpu.memory_space<semaphore_mem>>) src(%dma_wait3A_31 : memref<8192x128xf32, #tpu.memory_space<hbm>>) dst(%arg10 : memref<128x128xf32, #tpu.memory_space<vmem>>)
      %dma_start3A_32 = arith.constant 0 : i32
      %dma_start3A_33 = tpu.memref_slice %arg5[%add3A_13, %dma_start3A_32] : memref<245760x128xf32, #tpu.memory_space<hbm>> -> memref<128x128xf32, #tpu.memory_space<hbm>>
      %dma_start3A_34 = arith.constant 0 : i32
      %dma_start3A_35 = tpu.memref_slice %arg5[%add3A_13, %dma_start3A_34] : memref<245760x128xf32, #tpu.memory_space<hbm>> -> memref<128x128xf32, #tpu.memory_space<hbm>>
      tpu.enqueue_dma source(%arg9 : memref<128x128xf32, #tpu.memory_space<vmem>>) target(%dma_start3A_35 : memref<128x128xf32, #tpu.memory_space<hbm>>) target_semaphore(%arg15 : memref<!tpu.dma_semaphore, #tpu.memory_space<semaphore_mem>>)
      %dma_start3A_36 = arith.constant 0 : i32
      %dma_start3A_37 = tpu.memref_slice %arg6[%add3A_13, %dma_start3A_36] : memref<245760x128xf32, #tpu.memory_space<hbm>> -> memref<128x128xf32, #tpu.memory_space<hbm>>
      %dma_start3A_38 = arith.constant 0 : i32
      %dma_start3A_39 = tpu.memref_slice %arg6[%add3A_13, %dma_start3A_38] : memref<245760x128xf32, #tpu.memory_space<hbm>> -> memref<128x128xf32, #tpu.memory_space<hbm>>
      tpu.enqueue_dma source(%arg10 : memref<128x128xf32, #tpu.memory_space<vmem>>) target(%dma_start3A_39 : memref<128x128xf32, #tpu.memory_space<hbm>>) target_semaphore(%arg15 : memref<!tpu.dma_semaphore, #tpu.memory_space<semaphore_mem>>)
      %dma_wait3A_40 = arith.constant 0 : i32
      %dma_wait3A_41 = arith.constant 0 : i32
      %dma_wait3A_42 = tpu.memref_slice %arg2[%dma_wait3A_40, %dma_wait3A_41] : memref<8192x128xf32, #tpu.memory_space<hbm>> -> memref<8192x128xf32, #tpu.memory_space<hbm>>
      tpu.wait_indirect_dma semaphore(%arg14 : memref<!tpu.dma_semaphore, #tpu.memory_space<semaphore_mem>>) src(%dma_wait3A_42 : memref<8192x128xf32, #tpu.memory_space<hbm>>) dst(%arg11 : memref<128x128xf32, #tpu.memory_space<vmem>>)
      %dma_wait3A_43 = arith.constant 0 : i32
      %dma_wait3A_44 = arith.constant 0 : i32
      %dma_wait3A_45 = tpu.memref_slice %arg3[%dma_wait3A_43, %dma_wait3A_44] : memref<8192x128xf32, #tpu.memory_space<hbm>> -> memref<8192x128xf32, #tpu.memory_space<hbm>>
      tpu.wait_indirect_dma semaphore(%arg14 : memref<!tpu.dma_semaphore, #tpu.memory_space<semaphore_mem>>) src(%dma_wait3A_45 : memref<8192x128xf32, #tpu.memory_space<hbm>>) dst(%arg12 : memref<128x128xf32, #tpu.memory_space<vmem>>)
      %dma_start3A_46 = arith.constant 0 : i32
      %dma_start3A_47 = tpu.memref_slice %arg5[%add3A_15, %dma_start3A_46] : memref<245760x128xf32, #tpu.memory_space<hbm>> -> memref<128x128xf32, #tpu.memory_space<hbm>>
      %dma_start3A_48 = arith.constant 0 : i32
      %dma_start3A_49 = tpu.memref_slice %arg5[%add3A_15, %dma_start3A_48] : memref<245760x128xf32, #tpu.memory_space<hbm>> -> memref<128x128xf32, #tpu.memory_space<hbm>>
      tpu.enqueue_dma source(%arg11 : memref<128x128xf32, #tpu.memory_space<vmem>>) target(%dma_start3A_49 : memref<128x128xf32, #tpu.memory_space<hbm>>) target_semaphore(%arg16 : memref<!tpu.dma_semaphore, #tpu.memory_space<semaphore_mem>>)
      %dma_start3A_50 = arith.constant 0 : i32
      %dma_start3A_51 = tpu.memref_slice %arg6[%add3A_15, %dma_start3A_50] : memref<245760x128xf32, #tpu.memory_space<hbm>> -> memref<128x128xf32, #tpu.memory_space<hbm>>
      %dma_start3A_52 = arith.constant 0 : i32
      %dma_start3A_53 = tpu.memref_slice %arg6[%add3A_15, %dma_start3A_52] : memref<245760x128xf32, #tpu.memory_space<hbm>> -> memref<128x128xf32, #tpu.memory_space<hbm>>
      tpu.enqueue_dma source(%arg12 : memref<128x128xf32, #tpu.memory_space<vmem>>) target(%dma_start3A_53 : memref<128x128xf32, #tpu.memory_space<hbm>>) target_semaphore(%arg16 : memref<!tpu.dma_semaphore, #tpu.memory_space<semaphore_mem>>)
      %dma_wait3A_54 = arith.constant 0 : i32
      %dma_wait3A_55 = tpu.memref_slice %arg5[%add3A_13, %dma_wait3A_54] : memref<245760x128xf32, #tpu.memory_space<hbm>> -> memref<128x128xf32, #tpu.memory_space<hbm>>
      %dma_wait3A_56 = arith.constant 0 : i32
      %dma_wait3A_57 = tpu.memref_slice %arg5[%add3A_13, %dma_wait3A_56] : memref<245760x128xf32, #tpu.memory_space<hbm>> -> memref<128x128xf32, #tpu.memory_space<hbm>>
      tpu.wait_dma2 semaphore(%arg15 : memref<!tpu.dma_semaphore, #tpu.memory_space<semaphore_mem>>) src(%arg9 : memref<128x128xf32, #tpu.memory_space<vmem>>) dst(%dma_wait3A_57 : memref<128x128xf32, #tpu.memory_space<hbm>>)
      %dma_wait3A_58 = arith.constant 0 : i32
      %dma_wait3A_59 = tpu.memref_slice %arg6[%add3A_13, %dma_wait3A_58] : memref<245760x128xf32, #tpu.memory_space<hbm>> -> memref<128x128xf32, #tpu.memory_space<hbm>>
      %dma_wait3A_60 = arith.constant 0 : i32
      %dma_wait3A_61 = tpu.memref_slice %arg6[%add3A_13, %dma_wait3A_60] : memref<245760x128xf32, #tpu.memory_space<hbm>> -> memref<128x128xf32, #tpu.memory_space<hbm>>
      tpu.wait_dma2 semaphore(%arg15 : memref<!tpu.dma_semaphore, #tpu.memory_space<semaphore_mem>>) src(%arg10 : memref<128x128xf32, #tpu.memory_space<vmem>>) dst(%dma_wait3A_61 : memref<128x128xf32, #tpu.memory_space<hbm>>)
      %dma_wait3A_62 = arith.constant 0 : i32
      %dma_wait3A_63 = tpu.memref_slice %arg5[%add3A_15, %dma_wait3A_62] : memref<245760x128xf32, #tpu.memory_space<hbm>> -> memref<128x128xf32, #tpu.memory_space<hbm>>
      %dma_wait3A_64 = arith.constant 0 : i32
      %dma_wait3A_65 = tpu.memref_slice %arg5[%add3A_15, %dma_wait3A_64] : memref<245760x128xf32, #tpu.memory_space<hbm>> -> memref<128x128xf32, #tpu.memory_space<hbm>>
      tpu.wait_dma2 semaphore(%arg16 : memref<!tpu.dma_semaphore, #tpu.memory_space<semaphore_mem>>) src(%arg11 : memref<128x128xf32, #tpu.memory_space<vmem>>) dst(%dma_wait3A_65 : memref<128x128xf32, #tpu.memory_space<hbm>>)
      %dma_wait3A_66 = arith.constant 0 : i32
      %dma_wait3A_67 = tpu.memref_slice %arg6[%add3A_15, %dma_wait3A_66] : memref<245760x128xf32, #tpu.memory_space<hbm>> -> memref<128x128xf32, #tpu.memory_space<hbm>>
      %dma_wait3A_68 = arith.constant 0 : i32
      %dma_wait3A_69 = tpu.memref_slice %arg6[%add3A_15, %dma_wait3A_68] : memref<245760x128xf32, #tpu.memory_space<hbm>> -> memref<128x128xf32, #tpu.memory_space<hbm>>
      tpu.wait_dma2 semaphore(%arg16 : memref<!tpu.dma_semaphore, #tpu.memory_space<semaphore_mem>>) src(%arg12 : memref<128x128xf32, #tpu.memory_space<vmem>>) dst(%dma_wait3A_69 : memref<128x128xf32, #tpu.memory_space<hbm>>)
    }
    %scan3A_7 = arith.constant 30 : i32
    return
  }
}

module attributes {stable_mosaic.version = 14 : i64} {
  func.func @_node_feat_body(%arg0: i32, %arg1: memref<512x16xf32, #tpu.memory_space<vmem>>, %arg2: memref<512x1xi32, #tpu.memory_space<vmem>>, %arg3: memref<16x256xf32, #tpu.memory_space<vmem>>, %arg4: memref<1x256xf32, #tpu.memory_space<vmem>>, %arg5: memref<256x256xf32, #tpu.memory_space<vmem>>, %arg6: memref<256x256xf32, #tpu.memory_space<vmem>>, %arg7: memref<1x256xf32, #tpu.memory_space<vmem>>, %arg8: memref<512x256xf32, #tpu.memory_space<vmem>>, %arg9: memref<512x256xf32, #tpu.memory_space<vmem>>, %arg10: memref<512x128xf32, #tpu.memory_space<vmem>>, %arg11: memref<512x128xf32, #tpu.memory_space<vmem>>, %arg12: memref<512x1xf32, #tpu.memory_space<vmem>>) attributes {dimension_semantics = [#tpu.dimension_semantics<arbitrary>], iteration_bounds = array<i64: 16>, scalar_prefetch = 0 : i64, scratch_operands = 0 : i64, tpu.core_type = #tpu.core_type<tc>, window_params = [{transform_indices = @transform_0, window_bounds = array<i64: 512, 16>}, {transform_indices = @transform_1, window_bounds = array<i64: 512, 1>}, {pipeline_mode = #tpu.pipeline_mode<synchronous>, transform_indices = @transform_2, window_bounds = array<i64: 16, 256>}, {pipeline_mode = #tpu.pipeline_mode<synchronous>, transform_indices = @transform_3, window_bounds = array<i64: 1, 256>}, {pipeline_mode = #tpu.pipeline_mode<synchronous>, transform_indices = @transform_4, window_bounds = array<i64: 256, 256>}, {pipeline_mode = #tpu.pipeline_mode<synchronous>, transform_indices = @transform_5, window_bounds = array<i64: 256, 256>}, {pipeline_mode = #tpu.pipeline_mode<synchronous>, transform_indices = @transform_6, window_bounds = array<i64: 1, 256>}, {transform_indices = @transform_7, window_bounds = array<i64: 512, 256>}, {transform_indices = @transform_8, window_bounds = array<i64: 512, 256>}, {transform_indices = @transform_9, window_bounds = array<i64: 512, 128>}, {transform_indices = @transform_10, window_bounds = array<i64: 512, 128>}, {transform_indices = @transform_11, window_bounds = array<i64: 512, 1>}]} {
    %get3A = arith.constant 0 : index
    %get3A_0 = arith.constant 0 : index
    %get3A_1 = vector.load %arg2[%get3A, %get3A_0] : memref<512x1xi32, #tpu.memory_space<vmem>>, vector<512x1xi32>
    %gt3A = arith.constant 0 : i32
    %gt3A_2 = vector.broadcast %gt3A : i32 to vector<512x1xi32>
    %gt3A_3 = arith.cmpi sgt, %get3A_1, %gt3A_2 : vector<512x1xi32>
    %convert_element_type3A = arith.extui %gt3A_3 : vector<512x1xi1> to vector<512x1xi32>
    %convert_element_type3A_4 = arith.sitofp %convert_element_type3A : vector<512x1xi32> to vector<512x1xf32>
    %get3A_5 = arith.constant 0 : index
    %get3A_6 = arith.constant 0 : index
    %get3A_7 = vector.load %arg1[%get3A_5, %get3A_6] : memref<512x16xf32, #tpu.memory_space<vmem>>, vector<512x16xf32>
    %get3A_8 = arith.constant 0 : index
    %get3A_9 = arith.constant 0 : index
    %get3A_10 = vector.load %arg3[%get3A_8, %get3A_9] : memref<16x256xf32, #tpu.memory_space<vmem>>, vector<16x256xf32>
    %dot_general3A = arith.constant dense<0.000000e+00> : vector<512x256xf32>
    %dot_general3A_11 = tpu.matmul %get3A_7, %get3A_10, %dot_general3A {dimension_numbers = #tpu.dot_dimension_numbers<[1], [0], [0], [1], [0, 0, 1, 1], [], []>, transpose_lhs_hint = false} : vector<512x16xf32>, vector<16x256xf32>, vector<512x256xf32> -> vector<512x256xf32>
    %get3A_12 = arith.constant 0 : index
    %get3A_13 = arith.constant 0 : index
    %get3A_14 = vector.load %arg4[%get3A_12, %get3A_13] : memref<1x256xf32, #tpu.memory_space<vmem>>, vector<1x256xf32>
    %add3A = vector.broadcast %get3A_14 : vector<1x256xf32> to vector<512x256xf32>
    %add3A_15 = arith.addf %dot_general3A_11, %add3A : vector<512x256xf32>
    %max3A = arith.constant 0.000000e+00 : f32
    %max3A_16 = vector.broadcast %max3A : f32 to vector<512x256xf32>
    %max3A_17 = arith.maximumf %add3A_15, %max3A_16 : vector<512x256xf32>
    %abs3A = math.absf %add3A_15 : vector<512x256xf32>
    %neg3A = arith.constant 0.000000e+00 : f32
    %neg3A_18 = vector.broadcast %neg3A : f32 to vector<512x256xf32>
    %neg3A_19 = arith.subf %neg3A_18, %abs3A : vector<512x256xf32>
    %exp3A = math.exp %neg3A_19 : vector<512x256xf32>
    %add3A_20 = arith.constant 1.000000e+00 : f32
    %add3A_21 = vector.broadcast %add3A_20 : f32 to vector<512x256xf32>
    %add3A_22 = arith.addf %add3A_21, %exp3A : vector<512x256xf32>
    %log3A = math.log %add3A_22 : vector<512x256xf32>
    %add3A_23 = arith.addf %max3A_17, %log3A : vector<512x256xf32>
    %mul3A = vector.broadcast %convert_element_type3A_4 : vector<512x1xf32> to vector<512x256xf32>
    %mul3A_24 = arith.mulf %add3A_23, %mul3A : vector<512x256xf32>
    %swap3A = arith.constant 0 : index
    %swap3A_25 = arith.constant 0 : index
    %swap3A_26 = vector.load %arg8[%swap3A, %swap3A_25] : memref<512x256xf32, #tpu.memory_space<vmem>>, vector<512x256xf32>
    tpu.vector_store %arg8[%swap3A, %swap3A_25], %mul3A_24 {strides = array<i32>} : memref<512x256xf32, #tpu.memory_space<vmem>>, vector<512x256xf32>,
    %get3A_27 = arith.constant 0 : index
    %get3A_28 = arith.constant 0 : index
    %get3A_29 = vector.load %arg5[%get3A_27, %get3A_28] : memref<256x256xf32, #tpu.memory_space<vmem>>, vector<256x256xf32>
    %dot_general3A_30 = arith.constant dense<0.000000e+00> : vector<512x256xf32>
    %dot_general3A_31 = tpu.matmul %mul3A_24, %get3A_29, %dot_general3A_30 {dimension_numbers = #tpu.dot_dimension_numbers<[1], [0], [0], [1], [0, 0, 1, 1], [], []>, transpose_lhs_hint = false} : vector<512x256xf32>, vector<256x256xf32>, vector<512x256xf32> -> vector<512x256xf32>
    %get3A_32 = arith.constant 0 : index
    %get3A_33 = arith.constant 0 : index
    %get3A_34 = vector.load %arg7[%get3A_32, %get3A_33] : memref<1x256xf32, #tpu.memory_space<vmem>>, vector<1x256xf32>
    %add3A_35 = vector.broadcast %get3A_34 : vector<1x256xf32> to vector<512x256xf32>
    %add3A_36 = arith.addf %dot_general3A_31, %add3A_35 : vector<512x256xf32>
    %swap3A_37 = arith.constant 0 : index
    %swap3A_38 = arith.constant 0 : index
    %swap3A_39 = vector.load %arg9[%swap3A_37, %swap3A_38] : memref<512x256xf32, #tpu.memory_space<vmem>>, vector<512x256xf32>
    tpu.vector_store %arg9[%swap3A_37, %swap3A_38], %add3A_36 {strides = array<i32>} : memref<512x256xf32, #tpu.memory_space<vmem>>, vector<512x256xf32>,
    %get3A_40 = arith.constant 0 : index
    %get3A_41 = arith.constant 0 : index
    %get3A_42 = vector.load %arg6[%get3A_40, %get3A_41] : memref<256x256xf32, #tpu.memory_space<vmem>>, vector<256x256xf32>
    %dot_general3A_43 = arith.constant dense<0.000000e+00> : vector<512x256xf32>
    %dot_general3A_44 = tpu.matmul %mul3A_24, %get3A_42, %dot_general3A_43 {dimension_numbers = #tpu.dot_dimension_numbers<[1], [0], [0], [1], [0, 0, 1, 1], [], []>, transpose_lhs_hint = false} : vector<512x256xf32>, vector<256x256xf32>, vector<512x256xf32> -> vector<512x256xf32>
    %slice3A = vector.extract_strided_slice %dot_general3A_44 {offsets = [0, 0], sizes = [512, 128], strides = [1, 1]} : vector<512x256xf32> to vector<512x128xf32>
    %swap3A_45 = arith.constant 0 : index
    %swap3A_46 = arith.constant 0 : index
    %swap3A_47 = vector.load %arg10[%swap3A_45, %swap3A_46] : memref<512x128xf32, #tpu.memory_space<vmem>>, vector<512x128xf32>
    tpu.vector_store %arg10[%swap3A_45, %swap3A_46], %slice3A {strides = array<i32>} : memref<512x128xf32, #tpu.memory_space<vmem>>, vector<512x128xf32>,
    %slice3A_48 = vector.extract_strided_slice %dot_general3A_44 {offsets = [0, 128], sizes = [512, 128], strides = [1, 1]} : vector<512x256xf32> to vector<512x128xf32>
    %swap3A_49 = arith.constant 0 : index
    %swap3A_50 = arith.constant 0 : index
    %swap3A_51 = vector.load %arg11[%swap3A_49, %swap3A_50] : memref<512x128xf32, #tpu.memory_space<vmem>>, vector<512x128xf32>
    tpu.vector_store %arg11[%swap3A_49, %swap3A_50], %slice3A_48 {strides = array<i32>} : memref<512x128xf32, #tpu.memory_space<vmem>>, vector<512x128xf32>,
    %swap3A_52 = arith.constant 0 : index
    %swap3A_53 = arith.constant 0 : index
    %swap3A_54 = vector.load %arg12[%swap3A_52, %swap3A_53] : memref<512x1xf32, #tpu.memory_space<vmem>>, vector<512x1xf32>
    tpu.vector_store %arg12[%swap3A_52, %swap3A_53], %convert_element_type3A_4 {strides = array<i32>} : memref<512x1xf32, #tpu.memory_space<vmem>>, vector<512x1xf32>,
    return
  }
  func.func @transform_0(%arg0: i32) -> (i32, i32) {
    %c0_i32 = arith.constant 0 : i32
    %c0_i32_0 = arith.constant 0 : i32
    return %arg0, %c0_i32 : i32, i32
  }
  func.func @transform_1(%arg0: i32) -> (i32, i32) {
    %c0_i32 = arith.constant 0 : i32
    %c0_i32_0 = arith.constant 0 : i32
    return %arg0, %c0_i32 : i32, i32
  }
  func.func @transform_2(%arg0: i32) -> (i32, i32) {
    %c0_i32 = arith.constant 0 : i32
    %c0_i32_0 = arith.constant 0 : i32
    %c0_i32_1 = arith.constant 0 : i32
    return %c0_i32, %c0_i32_0 : i32, i32
  }
  func.func @transform_3(%arg0: i32) -> (i32, i32) {
    %c0_i32 = arith.constant 0 : i32
    %c0_i32_0 = arith.constant 0 : i32
    %c0_i32_1 = arith.constant 0 : i32
    return %c0_i32, %c0_i32_0 : i32, i32
  }
  func.func @transform_4(%arg0: i32) -> (i32, i32) {
    %c0_i32 = arith.constant 0 : i32
    %c0_i32_0 = arith.constant 0 : i32
    %c0_i32_1 = arith.constant 0 : i32
    return %c0_i32, %c0_i32_0 : i32, i32
  }
  func.func @transform_5(%arg0: i32) -> (i32, i32) {
    %c0_i32 = arith.constant 0 : i32
    %c0_i32_0 = arith.constant 0 : i32
    %c0_i32_1 = arith.constant 0 : i32
    return %c0_i32, %c0_i32_0 : i32, i32
  }
  func.func @transform_6(%arg0: i32) -> (i32, i32) {
    %c0_i32 = arith.constant 0 : i32
    %c0_i32_0 = arith.constant 0 : i32
    %c0_i32_1 = arith.constant 0 : i32
    return %c0_i32, %c0_i32_0 : i32, i32
  }
  func.func @transform_7(%arg0: i32) -> (i32, i32) {
    %c0_i32 = arith.constant 0 : i32
    %c0_i32_0 = arith.constant 0 : i32
    return %arg0, %c0_i32 : i32, i32
  }
  func.func @transform_8(%arg0: i32) -> (i32, i32) {
    %c0_i32 = arith.constant 0 : i32
    %c0_i32_0 = arith.constant 0 : i32
    return %arg0, %c0_i32 : i32, i32
  }
  func.func @transform_9(%arg0: i32) -> (i32, i32) {
    %c0_i32 = arith.constant 0 : i32
    %c0_i32_0 = arith.constant 0 : i32
    return %arg0, %c0_i32 : i32, i32
  }
  func.func @transform_10(%arg0: i32) -> (i32, i32) {
    %c0_i32 = arith.constant 0 : i32
    %c0_i32_0 = arith.constant 0 : i32
    return %arg0, %c0_i32 : i32, i32
  }
  func.func @transform_11(%arg0: i32) -> (i32, i32) {
    %c0_i32 = arith.constant 0 : i32
    %c0_i32_0 = arith.constant 0 : i32
    return %arg0, %c0_i32 : i32, i32
  }
}

module attributes {stable_mosaic.version = 14 : i64} {
  func.func @_topk_body(%arg0: i32, %arg1: i32, %arg2: memref<1x256x1xf32, #tpu.memory_space<vmem>>, %arg3: memref<1x256x1xf32, #tpu.memory_space<vmem>>, %arg4: memref<1x256x1xf32, #tpu.memory_space<vmem>>, %arg5: memref<1x1x2048xf32, #tpu.memory_space<vmem>>, %arg6: memref<1x1x2048xf32, #tpu.memory_space<vmem>>, %arg7: memref<1x1x2048xf32, #tpu.memory_space<vmem>>, %arg8: memref<1x1x2048xf32, #tpu.memory_space<vmem>>, %arg9: memref<1x1x2048xi32, #tpu.memory_space<vmem>>, %arg10: memref<1x256x30xf32, #tpu.memory_space<vmem>>, %arg11: memref<1x256x30xi32, #tpu.memory_space<vmem>>, %arg12: memref<1x256x30xi32, #tpu.memory_space<vmem>>, %arg13: memref<1x256x30xi32, #tpu.memory_space<vmem>>) attributes {dimension_semantics = [#tpu.dimension_semantics<arbitrary>, #tpu.dimension_semantics<arbitrary>], iteration_bounds = array<i64: 4, 8>, scalar_prefetch = 0 : i64, scratch_operands = 0 : i64, tpu.core_type = #tpu.core_type<tc>, window_params = [{transform_indices = @transform_0, window_bounds = array<i64: 1, 256, 1>}, {transform_indices = @transform_1, window_bounds = array<i64: 1, 256, 1>}, {transform_indices = @transform_2, window_bounds = array<i64: 1, 256, 1>}, {transform_indices = @transform_3, window_bounds = array<i64: 1, 1, 2048>}, {transform_indices = @transform_4, window_bounds = array<i64: 1, 1, 2048>}, {transform_indices = @transform_5, window_bounds = array<i64: 1, 1, 2048>}, {transform_indices = @transform_6, window_bounds = array<i64: 1, 1, 2048>}, {transform_indices = @transform_7, window_bounds = array<i64: 1, 1, 2048>}, {transform_indices = @transform_8, window_bounds = array<i64: 1, 256, 30>}, {transform_indices = @transform_9, window_bounds = array<i64: 1, 256, 30>}, {transform_indices = @transform_10, window_bounds = array<i64: 1, 256, 30>}, {transform_indices = @transform_11, window_bounds = array<i64: 1, 256, 30>}]} {
    %get3A = arith.constant 0 : index
    %get3A_0 = arith.constant 0 : index
    %get3A_1 = arith.constant 0 : index
    %get3A_2 = vector.load %arg2[%get3A, %get3A_0, %get3A_1] : memref<1x256x1xf32, #tpu.memory_space<vmem>>, vector<1x256x1xf32>
    %get3A_3 = vector.shape_cast %get3A_2 : vector<1x256x1xf32> to vector<256x1xf32>
    %get3A_4 = arith.constant 0 : index
    %get3A_5 = arith.constant 0 : index
    %get3A_6 = arith.constant 0 : index
    %get3A_7 = vector.load %arg3[%get3A_4, %get3A_5, %get3A_6] : memref<1x256x1xf32, #tpu.memory_space<vmem>>, vector<1x256x1xf32>
    %get3A_8 = vector.shape_cast %get3A_7 : vector<1x256x1xf32> to vector<256x1xf32>
    %get3A_9 = arith.constant 0 : index
    %get3A_10 = arith.constant 0 : index
    %get3A_11 = arith.constant 0 : index
    %get3A_12 = vector.load %arg4[%get3A_9, %get3A_10, %get3A_11] : memref<1x256x1xf32, #tpu.memory_space<vmem>>, vector<1x256x1xf32>
    %get3A_13 = vector.shape_cast %get3A_12 : vector<1x256x1xf32> to vector<256x1xf32>
    %get3A_14 = arith.constant 0 : index
    %get3A_15 = arith.constant 0 : index
    %get3A_16 = arith.constant 0 : index
    %get3A_17 = vector.load %arg5[%get3A_14, %get3A_15, %get3A_16] : memref<1x1x2048xf32, #tpu.memory_space<vmem>>, vector<1x1x2048xf32>
    %get3A_18 = vector.shape_cast %get3A_17 : vector<1x1x2048xf32> to vector<1x2048xf32>
    %get3A_19 = arith.constant 0 : index
    %get3A_20 = arith.constant 0 : index
    %get3A_21 = arith.constant 0 : index
    %get3A_22 = vector.load %arg6[%get3A_19, %get3A_20, %get3A_21] : memref<1x1x2048xf32, #tpu.memory_space<vmem>>, vector<1x1x2048xf32>
    %get3A_23 = vector.shape_cast %get3A_22 : vector<1x1x2048xf32> to vector<1x2048xf32>
    %get3A_24 = arith.constant 0 : index
    %get3A_25 = arith.constant 0 : index
    %get3A_26 = arith.constant 0 : index
    %get3A_27 = vector.load %arg7[%get3A_24, %get3A_25, %get3A_26] : memref<1x1x2048xf32, #tpu.memory_space<vmem>>, vector<1x1x2048xf32>
    %get3A_28 = vector.shape_cast %get3A_27 : vector<1x1x2048xf32> to vector<1x2048xf32>
    %sub3A = vector.broadcast %get3A_3 : vector<256x1xf32> to vector<256x2048xf32>
    %sub3A_29 = vector.broadcast %get3A_18 : vector<1x2048xf32> to vector<256x2048xf32>
    %sub3A_30 = arith.subf %sub3A, %sub3A_29 : vector<256x2048xf32>
    %sub3A_31 = vector.broadcast %get3A_8 : vector<256x1xf32> to vector<256x2048xf32>
    %sub3A_32 = vector.broadcast %get3A_23 : vector<1x2048xf32> to vector<256x2048xf32>
    %sub3A_33 = arith.subf %sub3A_31, %sub3A_32 : vector<256x2048xf32>
    %sub3A_34 = vector.broadcast %get3A_13 : vector<256x1xf32> to vector<256x2048xf32>
    %sub3A_35 = vector.broadcast %get3A_28 : vector<1x2048xf32> to vector<256x2048xf32>
    %sub3A_36 = arith.subf %sub3A_34, %sub3A_35 : vector<256x2048xf32>
    %mul3A = arith.mulf %sub3A_30, %sub3A_30 : vector<256x2048xf32>
    %mul3A_37 = arith.mulf %sub3A_33, %sub3A_33 : vector<256x2048xf32>
    %add3A = arith.addf %mul3A, %mul3A_37 : vector<256x2048xf32>
    %mul3A_38 = arith.mulf %sub3A_36, %sub3A_36 : vector<256x2048xf32>
    %add3A_39 = arith.addf %add3A, %mul3A_38 : vector<256x2048xf32>
    %add3A_40 = arith.constant 9.99999993E-9 : f32
    %add3A_41 = vector.broadcast %add3A_40 : f32 to vector<256x2048xf32>
    %add3A_42 = arith.addf %add3A_39, %add3A_41 : vector<256x2048xf32>
    %sqrt3A = math.sqrt %add3A_42 : vector<256x2048xf32>
    %iota3A = tpu.iota {dimensions = array<i32: 1>} : vector<1x2048xi32>
    %mul3A_43 = arith.constant 256 : i32
    %mul3A_44 = arith.muli %arg1, %mul3A_43 : i32
    %iota3A_45 = tpu.iota {dimensions = array<i32: 0>} : vector<256x1xi32>
    %add3A_46 = vector.broadcast %mul3A_44 : i32 to vector<256x1xi32>
    %add3A_47 = arith.addi %add3A_46, %iota3A_45 : vector<256x1xi32>
    %eq3A = vector.broadcast %add3A_47 : vector<256x1xi32> to vector<256x2048xi32>
    %eq3A_48 = vector.broadcast %iota3A : vector<1x2048xi32> to vector<256x2048xi32>
    %eq3A_49 = arith.cmpi eq, %eq3A, %eq3A_48 : vector<256x2048xi32>
    %jit3A = arith.constant 1.000000e+06 : f32
    %jit3A_50 = arith.constant 0.000000e+00 : f32
    %broadcast_in_dim3A = vector.broadcast %jit3A : f32 to vector<256x2048xf32>
    %broadcast_in_dim3A_51 = vector.broadcast %jit3A_50 : f32 to vector<256x2048xf32>
    %select_n3A = arith.select %eq3A_49, %broadcast_in_dim3A, %broadcast_in_dim3A_51 : vector<256x2048xi1>, vector<256x2048xf32>
    %add3A_52 = arith.addf %sqrt3A, %select_n3A : vector<256x2048xf32>
    %get3A_53 = arith.constant 0 : index
    %get3A_54 = arith.constant 0 : index
    %get3A_55 = arith.constant 0 : index
    %get3A_56 = vector.load %arg8[%get3A_53, %get3A_54, %get3A_55] : memref<1x1x2048xf32, #tpu.memory_space<vmem>>, vector<1x1x2048xf32>
    %get3A_57 = vector.shape_cast %get3A_56 : vector<1x1x2048xf32> to vector<1x2048xf32>
    %sub3A_58 = arith.constant 1.000000e+00 : f32
    %sub3A_59 = vector.broadcast %sub3A_58 : f32 to vector<1x2048xf32>
    %sub3A_60 = arith.subf %sub3A_59, %get3A_57 : vector<1x2048xf32>
    %mul3A_61 = arith.constant 1.000000e+06 : f32
    %mul3A_62 = vector.broadcast %mul3A_61 : f32 to vector<1x2048xf32>
    %mul3A_63 = arith.mulf %sub3A_60, %mul3A_62 : vector<1x2048xf32>
    %add3A_64 = vector.broadcast %mul3A_63 : vector<1x2048xf32> to vector<256x2048xf32>
    %add3A_65 = arith.addf %add3A_52, %add3A_64 : vector<256x2048xf32>
    %mul3A_66 = arith.constant 4 : i32
    %mul3A_67 = vector.broadcast %mul3A_66 : i32 to vector<1x2048xi32>
    %mul3A_68 = arith.muli %iota3A, %mul3A_67 : vector<1x2048xi32>
    %get3A_69 = arith.constant 0 : index
    %get3A_70 = arith.constant 0 : index
    %get3A_71 = arith.constant 0 : index
    %get3A_72 = vector.load %arg9[%get3A_69, %get3A_70, %get3A_71] : memref<1x1x2048xi32, #tpu.memory_space<vmem>>, vector<1x1x2048xi32>
    %get3A_73 = vector.shape_cast %get3A_72 : vector<1x1x2048xi32> to vector<1x2048xi32>
    %add3A_74 = arith.addi %mul3A_68, %get3A_73 : vector<1x2048xi32>
    %slice3A = vector.extract_strided_slice %add3A_65 {offsets = [0, 0], sizes = [256, 1024], strides = [1, 1]} : vector<256x2048xf32> to vector<256x1024xf32>
    %slice3A_75 = vector.extract_strided_slice %add3A_65 {offsets = [0, 1024], sizes = [256, 1024], strides = [1, 1]} : vector<256x2048xf32> to vector<256x1024xf32>
    %slice3A_76 = vector.extract_strided_slice %add3A_74 {offsets = [0, 0], sizes = [1, 1024], strides = [1, 1]} : vector<1x2048xi32> to vector<1x1024xi32>
    %slice3A_77 = vector.extract_strided_slice %add3A_74 {offsets = [0, 1024], sizes = [1, 1024], strides = [1, 1]} : vector<1x2048xi32> to vector<1x1024xi32>
    %le3A = arith.cmpf ole, %slice3A, %slice3A_75 : vector<256x1024xf32>
    %select_n3A_78 = arith.select %le3A, %slice3A, %slice3A_75 : vector<256x1024xi1>, vector<256x1024xf32>
    %select_n3A_79 = arith.select %le3A, %slice3A_75, %slice3A : vector<256x1024xi1>, vector<256x1024xf32>
    %broadcast_in_dim3A_80 = vector.shape_cast %slice3A_76 : vector<1x1024xi32> to vector<1x1024xi32>
    %broadcast_in_dim3A_81 = vector.broadcast %broadcast_in_dim3A_80 : vector<1x1024xi32> to vector<256x1024xi32>
    %broadcast_in_dim3A_82 = vector.shape_cast %slice3A_77 : vector<1x1024xi32> to vector<1x1024xi32>
    %broadcast_in_dim3A_83 = vector.broadcast %broadcast_in_dim3A_82 : vector<1x1024xi32> to vector<256x1024xi32>
    %select_n3A_84 = arith.select %le3A, %broadcast_in_dim3A_81, %broadcast_in_dim3A_83 : vector<256x1024xi1>, vector<256x1024xi32>
    %broadcast_in_dim3A_85 = vector.shape_cast %slice3A_77 : vector<1x1024xi32> to vector<1x1024xi32>
    %broadcast_in_dim3A_86 = vector.broadcast %broadcast_in_dim3A_85 : vector<1x1024xi32> to vector<256x1024xi32>
    %broadcast_in_dim3A_87 = vector.shape_cast %slice3A_76 : vector<1x1024xi32> to vector<1x1024xi32>
    %broadcast_in_dim3A_88 = vector.broadcast %broadcast_in_dim3A_87 : vector<1x1024xi32> to vector<256x1024xi32>
    %select_n3A_89 = arith.select %le3A, %broadcast_in_dim3A_86, %broadcast_in_dim3A_88 : vector<256x1024xi1>, vector<256x1024xi32>
    %iota3A_90 = tpu.iota {dimensions = array<i32: 1>} : vector<1x1024xi32>
    %reduce_min3A = arith.constant dense<0x7F800000> : vector<256xf32>
    %reduce_min3A_91 = vector.multi_reduction <minimumf>, %select_n3A_78, %reduce_min3A [1] : vector<256x1024xf32> to vector<256xf32>
    %broadcast_in_dim3A_92 = vector.shape_cast %reduce_min3A_91 : vector<256xf32> to vector<256x1xf32>
    %eq3A_93 = vector.broadcast %broadcast_in_dim3A_92 : vector<256x1xf32> to vector<256x1024xf32>
    %eq3A_94 = arith.cmpf oeq, %select_n3A_78, %eq3A_93 : vector<256x1024xf32>
    %jit3A_95 = arith.constant 8192 : i32
    %broadcast_in_dim3A_96 = vector.broadcast %jit3A_95 : i32 to vector<256x1024xi32>
    %select_n3A_97 = arith.select %eq3A_94, %select_n3A_84, %broadcast_in_dim3A_96 : vector<256x1024xi1>, vector<256x1024xi32>
    %reduce_min3A_98 = arith.constant dense<2147483647> : vector<256xi32>
    %reduce_min3A_99 = vector.multi_reduction <minsi>, %select_n3A_97, %reduce_min3A_98 [1] : vector<256x1024xi32> to vector<256xi32>
    %broadcast_in_dim3A_100 = vector.shape_cast %reduce_min3A_99 : vector<256xi32> to vector<256x1xi32>
    %shift_right_arithmetic3A = arith.constant 2 : i32
    %shift_right_arithmetic3A_101 = vector.broadcast %shift_right_arithmetic3A : i32 to vector<256x1xi32>
    %shift_right_arithmetic3A_102 = arith.shrsi %broadcast_in_dim3A_100, %shift_right_arithmetic3A_101 : vector<256x1xi32>
    %and3A = arith.constant 3 : i32
    %and3A_103 = vector.broadcast %and3A : i32 to vector<256x1xi32>
    %and3A_104 = arith.andi %broadcast_in_dim3A_100, %and3A_103 : vector<256x1xi32>
    %and3A_105 = arith.constant 1023 : i32
    %and3A_106 = vector.broadcast %and3A_105 : i32 to vector<256x1xi32>
    %and3A_107 = arith.andi %shift_right_arithmetic3A_102, %and3A_106 : vector<256x1xi32>
    %eq3A_108 = vector.broadcast %iota3A_90 : vector<1x1024xi32> to vector<256x1024xi32>
    %eq3A_109 = vector.broadcast %and3A_107 : vector<256x1xi32> to vector<256x1024xi32>
    %eq3A_110 = arith.cmpi eq, %eq3A_108, %eq3A_109 : vector<256x1024xi32>
    %select_n3A_111 = arith.select %eq3A_110, %select_n3A_79, %select_n3A_78 : vector<256x1024xi1>, vector<256x1024xf32>
    %select_n3A_112 = arith.select %eq3A_110, %select_n3A_89, %select_n3A_84 : vector<256x1024xi1>, vector<256x1024xi32>
    %jit3A_113 = arith.constant 0x7F800000 : f32
    %broadcast_in_dim3A_114 = vector.broadcast %jit3A_113 : f32 to vector<256x1024xf32>
    %select_n3A_115 = arith.select %eq3A_110, %broadcast_in_dim3A_114, %select_n3A_79 : vector<256x1024xi1>, vector<256x1024xf32>
    %reduce_min3A_116 = arith.constant dense<0x7F800000> : vector<256xf32>
    %reduce_min3A_117 = vector.multi_reduction <minimumf>, %select_n3A_111, %reduce_min3A_116 [1] : vector<256x1024xf32> to vector<256xf32>
    %broadcast_in_dim3A_118 = vector.shape_cast %reduce_min3A_117 : vector<256xf32> to vector<256x1xf32>
    %eq3A_119 = vector.broadcast %broadcast_in_dim3A_118 : vector<256x1xf32> to vector<256x1024xf32>
    %eq3A_120 = arith.cmpf oeq, %select_n3A_111, %eq3A_119 : vector<256x1024xf32>
    %jit3A_121 = arith.constant 8192 : i32
    %broadcast_in_dim3A_122 = vector.broadcast %jit3A_121 : i32 to vector<256x1024xi32>
    %select_n3A_123 = arith.select %eq3A_120, %select_n3A_112, %broadcast_in_dim3A_122 : vector<256x1024xi1>, vector<256x1024xi32>
    %reduce_min3A_124 = arith.constant dense<2147483647> : vector<256xi32>
    %reduce_min3A_125 = vector.multi_reduction <minsi>, %select_n3A_123, %reduce_min3A_124 [1] : vector<256x1024xi32> to vector<256xi32>
    %broadcast_in_dim3A_126 = vector.shape_cast %reduce_min3A_125 : vector<256xi32> to vector<256x1xi32>
    %shift_right_arithmetic3A_127 = arith.constant 2 : i32
    %shift_right_arithmetic3A_128 = vector.broadcast %shift_right_arithmetic3A_127 : i32 to vector<256x1xi32>
    %shift_right_arithmetic3A_129 = arith.shrsi %broadcast_in_dim3A_126, %shift_right_arithmetic3A_128 : vector<256x1xi32>
    %and3A_130 = arith.constant 3 : i32
    %and3A_131 = vector.broadcast %and3A_130 : i32 to vector<256x1xi32>
    %and3A_132 = arith.andi %broadcast_in_dim3A_126, %and3A_131 : vector<256x1xi32>
    %and3A_133 = arith.constant 1023 : i32
    %and3A_134 = vector.broadcast %and3A_133 : i32 to vector<256x1xi32>
    %and3A_135 = arith.andi %shift_right_arithmetic3A_129, %and3A_134 : vector<256x1xi32>
    %eq3A_136 = vector.broadcast %iota3A_90 : vector<1x1024xi32> to vector<256x1024xi32>
    %eq3A_137 = vector.broadcast %and3A_135 : vector<256x1xi32> to vector<256x1024xi32>
    %eq3A_138 = arith.cmpi eq, %eq3A_136, %eq3A_137 : vector<256x1024xi32>
    %select_n3A_139 = arith.select %eq3A_138, %select_n3A_115, %select_n3A_111 : vector<256x1024xi1>, vector<256x1024xf32>
    %select_n3A_140 = arith.select %eq3A_138, %select_n3A_89, %select_n3A_112 : vector<256x1024xi1>, vector<256x1024xi32>
    %jit3A_141 = arith.constant 0x7F800000 : f32
    %broadcast_in_dim3A_142 = vector.broadcast %jit3A_141 : f32 to vector<256x1024xf32>
    %select_n3A_143 = arith.select %eq3A_138, %broadcast_in_dim3A_142, %select_n3A_115 : vector<256x1024xi1>, vector<256x1024xf32>
    %reduce_min3A_144 = arith.constant dense<0x7F800000> : vector<256xf32>
    %reduce_min3A_145 = vector.multi_reduction <minimumf>, %select_n3A_139, %reduce_min3A_144 [1] : vector<256x1024xf32> to vector<256xf32>
    %broadcast_in_dim3A_146 = vector.shape_cast %reduce_min3A_145 : vector<256xf32> to vector<256x1xf32>
    %eq3A_147 = vector.broadcast %broadcast_in_dim3A_146 : vector<256x1xf32> to vector<256x1024xf32>
    %eq3A_148 = arith.cmpf oeq, %select_n3A_139, %eq3A_147 : vector<256x1024xf32>
    %jit3A_149 = arith.constant 8192 : i32
    %broadcast_in_dim3A_150 = vector.broadcast %jit3A_149 : i32 to vector<256x1024xi32>
    %select_n3A_151 = arith.select %eq3A_148, %select_n3A_140, %broadcast_in_dim3A_150 : vector<256x1024xi1>, vector<256x1024xi32>
    %reduce_min3A_152 = arith.constant dense<2147483647> : vector<256xi32>
    %reduce_min3A_153 = vector.multi_reduction <minsi>, %select_n3A_151, %reduce_min3A_152 [1] : vector<256x1024xi32> to vector<256xi32>
    %broadcast_in_dim3A_154 = vector.shape_cast %reduce_min3A_153 : vector<256xi32> to vector<256x1xi32>
    %shift_right_arithmetic3A_155 = arith.constant 2 : i32
    %shift_right_arithmetic3A_156 = vector.broadcast %shift_right_arithmetic3A_155 : i32 to vector<256x1xi32>
    %shift_right_arithmetic3A_157 = arith.shrsi %broadcast_in_dim3A_154, %shift_right_arithmetic3A_156 : vector<256x1xi32>
    %and3A_158 = arith.constant 3 : i32
    %and3A_159 = vector.broadcast %and3A_158 : i32 to vector<256x1xi32>
    %and3A_160 = arith.andi %broadcast_in_dim3A_154, %and3A_159 : vector<256x1xi32>
    %and3A_161 = arith.constant 1023 : i32
    %and3A_162 = vector.broadcast %and3A_161 : i32 to vector<256x1xi32>
    %and3A_163 = arith.andi %shift_right_arithmetic3A_157, %and3A_162 : vector<256x1xi32>
    %eq3A_164 = vector.broadcast %iota3A_90 : vector<1x1024xi32> to vector<256x1024xi32>
    %eq3A_165 = vector.broadcast %and3A_163 : vector<256x1xi32> to vector<256x1024xi32>
    %eq3A_166 = arith.cmpi eq, %eq3A_164, %eq3A_165 : vector<256x1024xi32>
    %select_n3A_167 = arith.select %eq3A_166, %select_n3A_143, %select_n3A_139 : vector<256x1024xi1>, vector<256x1024xf32>
    %select_n3A_168 = arith.select %eq3A_166, %select_n3A_89, %select_n3A_140 : vector<256x1024xi1>, vector<256x1024xi32>
    %jit3A_169 = arith.constant 0x7F800000 : f32
    %broadcast_in_dim3A_170 = vector.broadcast %jit3A_169 : f32 to vector<256x1024xf32>
    %select_n3A_171 = arith.select %eq3A_166, %broadcast_in_dim3A_170, %select_n3A_143 : vector<256x1024xi1>, vector<256x1024xf32>
    %reduce_min3A_172 = arith.constant dense<0x7F800000> : vector<256xf32>
    %reduce_min3A_173 = vector.multi_reduction <minimumf>, %select_n3A_167, %reduce_min3A_172 [1] : vector<256x1024xf32> to vector<256xf32>
    %broadcast_in_dim3A_174 = vector.shape_cast %reduce_min3A_173 : vector<256xf32> to vector<256x1xf32>
    %eq3A_175 = vector.broadcast %broadcast_in_dim3A_174 : vector<256x1xf32> to vector<256x1024xf32>
    %eq3A_176 = arith.cmpf oeq, %select_n3A_167, %eq3A_175 : vector<256x1024xf32>
    %jit3A_177 = arith.constant 8192 : i32
    %broadcast_in_dim3A_178 = vector.broadcast %jit3A_177 : i32 to vector<256x1024xi32>
    %select_n3A_179 = arith.select %eq3A_176, %select_n3A_168, %broadcast_in_dim3A_178 : vector<256x1024xi1>, vector<256x1024xi32>
    %reduce_min3A_180 = arith.constant dense<2147483647> : vector<256xi32>
    %reduce_min3A_181 = vector.multi_reduction <minsi>, %select_n3A_179, %reduce_min3A_180 [1] : vector<256x1024xi32> to vector<256xi32>
    %broadcast_in_dim3A_182 = vector.shape_cast %reduce_min3A_181 : vector<256xi32> to vector<256x1xi32>
    %shift_right_arithmetic3A_183 = arith.constant 2 : i32
    %shift_right_arithmetic3A_184 = vector.broadcast %shift_right_arithmetic3A_183 : i32 to vector<256x1xi32>
    %shift_right_arithmetic3A_185 = arith.shrsi %broadcast_in_dim3A_182, %shift_right_arithmetic3A_184 : vector<256x1xi32>
    %and3A_186 = arith.constant 3 : i32
    %and3A_187 = vector.broadcast %and3A_186 : i32 to vector<256x1xi32>
    %and3A_188 = arith.andi %broadcast_in_dim3A_182, %and3A_187 : vector<256x1xi32>
    %and3A_189 = arith.constant 1023 : i32
    %and3A_190 = vector.broadcast %and3A_189 : i32 to vector<256x1xi32>
    %and3A_191 = arith.andi %shift_right_arithmetic3A_185, %and3A_190 : vector<256x1xi32>
    %eq3A_192 = vector.broadcast %iota3A_90 : vector<1x1024xi32> to vector<256x1024xi32>
    %eq3A_193 = vector.broadcast %and3A_191 : vector<256x1xi32> to vector<256x1024xi32>
    %eq3A_194 = arith.cmpi eq, %eq3A_192, %eq3A_193 : vector<256x1024xi32>
    %select_n3A_195 = arith.select %eq3A_194, %select_n3A_171, %select_n3A_167 : vector<256x1024xi1>, vector<256x1024xf32>
    %select_n3A_196 = arith.select %eq3A_194, %select_n3A_89, %select_n3A_168 : vector<256x1024xi1>, vector<256x1024xi32>
    %jit3A_197 = arith.constant 0x7F800000 : f32
    %broadcast_in_dim3A_198 = vector.broadcast %jit3A_197 : f32 to vector<256x1024xf32>
    %select_n3A_199 = arith.select %eq3A_194, %broadcast_in_dim3A_198, %select_n3A_171 : vector<256x1024xi1>, vector<256x1024xf32>
    %reduce_min3A_200 = arith.constant dense<0x7F800000> : vector<256xf32>
    %reduce_min3A_201 = vector.multi_reduction <minimumf>, %select_n3A_195, %reduce_min3A_200 [1] : vector<256x1024xf32> to vector<256xf32>
    %broadcast_in_dim3A_202 = vector.shape_cast %reduce_min3A_201 : vector<256xf32> to vector<256x1xf32>
    %eq3A_203 = vector.broadcast %broadcast_in_dim3A_202 : vector<256x1xf32> to vector<256x1024xf32>
    %eq3A_204 = arith.cmpf oeq, %select_n3A_195, %eq3A_203 : vector<256x1024xf32>
    %jit3A_205 = arith.constant 8192 : i32
    %broadcast_in_dim3A_206 = vector.broadcast %jit3A_205 : i32 to vector<256x1024xi32>
    %select_n3A_207 = arith.select %eq3A_204, %select_n3A_196, %broadcast_in_dim3A_206 : vector<256x1024xi1>, vector<256x1024xi32>
    %reduce_min3A_208 = arith.constant dense<2147483647> : vector<256xi32>
    %reduce_min3A_209 = vector.multi_reduction <minsi>, %select_n3A_207, %reduce_min3A_208 [1] : vector<256x1024xi32> to vector<256xi32>
    %broadcast_in_dim3A_210 = vector.shape_cast %reduce_min3A_209 : vector<256xi32> to vector<256x1xi32>
    %shift_right_arithmetic3A_211 = arith.constant 2 : i32
    %shift_right_arithmetic3A_212 = vector.broadcast %shift_right_arithmetic3A_211 : i32 to vector<256x1xi32>
    %shift_right_arithmetic3A_213 = arith.shrsi %broadcast_in_dim3A_210, %shift_right_arithmetic3A_212 : vector<256x1xi32>
    %and3A_214 = arith.constant 3 : i32
    %and3A_215 = vector.broadcast %and3A_214 : i32 to vector<256x1xi32>
    %and3A_216 = arith.andi %broadcast_in_dim3A_210, %and3A_215 : vector<256x1xi32>
    %and3A_217 = arith.constant 1023 : i32
    %and3A_218 = vector.broadcast %and3A_217 : i32 to vector<256x1xi32>
    %and3A_219 = arith.andi %shift_right_arithmetic3A_213, %and3A_218 : vector<256x1xi32>
    %eq3A_220 = vector.broadcast %iota3A_90 : vector<1x1024xi32> to vector<256x1024xi32>
    %eq3A_221 = vector.broadcast %and3A_219 : vector<256x1xi32> to vector<256x1024xi32>
    %eq3A_222 = arith.cmpi eq, %eq3A_220, %eq3A_221 : vector<256x1024xi32>
    %select_n3A_223 = arith.select %eq3A_222, %select_n3A_199, %select_n3A_195 : vector<256x1024xi1>, vector<256x1024xf32>
    %select_n3A_224 = arith.select %eq3A_222, %select_n3A_89, %select_n3A_196 : vector<256x1024xi1>, vector<256x1024xi32>
    %jit3A_225 = arith.constant 0x7F800000 : f32
    %broadcast_in_dim3A_226 = vector.broadcast %jit3A_225 : f32 to vector<256x1024xf32>
    %select_n3A_227 = arith.select %eq3A_222, %broadcast_in_dim3A_226, %select_n3A_199 : vector<256x1024xi1>, vector<256x1024xf32>
    %reduce_min3A_228 = arith.constant dense<0x7F800000> : vector<256xf32>
    %reduce_min3A_229 = vector.multi_reduction <minimumf>, %select_n3A_223, %reduce_min3A_228 [1] : vector<256x1024xf32> to vector<256xf32>
    %broadcast_in_dim3A_230 = vector.shape_cast %reduce_min3A_229 : vector<256xf32> to vector<256x1xf32>
    %eq3A_231 = vector.broadcast %broadcast_in_dim3A_230 : vector<256x1xf32> to vector<256x1024xf32>
    %eq3A_232 = arith.cmpf oeq, %select_n3A_223, %eq3A_231 : vector<256x1024xf32>
    %jit3A_233 = arith.constant 8192 : i32
    %broadcast_in_dim3A_234 = vector.broadcast %jit3A_233 : i32 to vector<256x1024xi32>
    %select_n3A_235 = arith.select %eq3A_232, %select_n3A_224, %broadcast_in_dim3A_234 : vector<256x1024xi1>, vector<256x1024xi32>
    %reduce_min3A_236 = arith.constant dense<2147483647> : vector<256xi32>
    %reduce_min3A_237 = vector.multi_reduction <minsi>, %select_n3A_235, %reduce_min3A_236 [1] : vector<256x1024xi32> to vector<256xi32>
    %broadcast_in_dim3A_238 = vector.shape_cast %reduce_min3A_237 : vector<256xi32> to vector<256x1xi32>
    %shift_right_arithmetic3A_239 = arith.constant 2 : i32
    %shift_right_arithmetic3A_240 = vector.broadcast %shift_right_arithmetic3A_239 : i32 to vector<256x1xi32>
    %shift_right_arithmetic3A_241 = arith.shrsi %broadcast_in_dim3A_238, %shift_right_arithmetic3A_240 : vector<256x1xi32>
    %and3A_242 = arith.constant 3 : i32
    %and3A_243 = vector.broadcast %and3A_242 : i32 to vector<256x1xi32>
    %and3A_244 = arith.andi %broadcast_in_dim3A_238, %and3A_243 : vector<256x1xi32>
    %and3A_245 = arith.constant 1023 : i32
    %and3A_246 = vector.broadcast %and3A_245 : i32 to vector<256x1xi32>
    %and3A_247 = arith.andi %shift_right_arithmetic3A_241, %and3A_246 : vector<256x1xi32>
    %eq3A_248 = vector.broadcast %iota3A_90 : vector<1x1024xi32> to vector<256x1024xi32>
    %eq3A_249 = vector.broadcast %and3A_247 : vector<256x1xi32> to vector<256x1024xi32>
    %eq3A_250 = arith.cmpi eq, %eq3A_248, %eq3A_249 : vector<256x1024xi32>
    %select_n3A_251 = arith.select %eq3A_250, %select_n3A_227, %select_n3A_223 : vector<256x1024xi1>, vector<256x1024xf32>
    %select_n3A_252 = arith.select %eq3A_250, %select_n3A_89, %select_n3A_224 : vector<256x1024xi1>, vector<256x1024xi32>
    %jit3A_253 = arith.constant 0x7F800000 : f32
    %broadcast_in_dim3A_254 = vector.broadcast %jit3A_253 : f32 to vector<256x1024xf32>
    %select_n3A_255 = arith.select %eq3A_250, %broadcast_in_dim3A_254, %select_n3A_227 : vector<256x1024xi1>, vector<256x1024xf32>
    %reduce_min3A_256 = arith.constant dense<0x7F800000> : vector<256xf32>
    %reduce_min3A_257 = vector.multi_reduction <minimumf>, %select_n3A_251, %reduce_min3A_256 [1] : vector<256x1024xf32> to vector<256xf32>
    %broadcast_in_dim3A_258 = vector.shape_cast %reduce_min3A_257 : vector<256xf32> to vector<256x1xf32>
    %eq3A_259 = vector.broadcast %broadcast_in_dim3A_258 : vector<256x1xf32> to vector<256x1024xf32>
    %eq3A_260 = arith.cmpf oeq, %select_n3A_251, %eq3A_259 : vector<256x1024xf32>
    %jit3A_261 = arith.constant 8192 : i32
    %broadcast_in_dim3A_262 = vector.broadcast %jit3A_261 : i32 to vector<256x1024xi32>
    %select_n3A_263 = arith.select %eq3A_260, %select_n3A_252, %broadcast_in_dim3A_262 : vector<256x1024xi1>, vector<256x1024xi32>
    %reduce_min3A_264 = arith.constant dense<2147483647> : vector<256xi32>
    %reduce_min3A_265 = vector.multi_reduction <minsi>, %select_n3A_263, %reduce_min3A_264 [1] : vector<256x1024xi32> to vector<256xi32>
    %broadcast_in_dim3A_266 = vector.shape_cast %reduce_min3A_265 : vector<256xi32> to vector<256x1xi32>
    %shift_right_arithmetic3A_267 = arith.constant 2 : i32
    %shift_right_arithmetic3A_268 = vector.broadcast %shift_right_arithmetic3A_267 : i32 to vector<256x1xi32>
    %shift_right_arithmetic3A_269 = arith.shrsi %broadcast_in_dim3A_266, %shift_right_arithmetic3A_268 : vector<256x1xi32>
    %and3A_270 = arith.constant 3 : i32
    %and3A_271 = vector.broadcast %and3A_270 : i32 to vector<256x1xi32>
    %and3A_272 = arith.andi %broadcast_in_dim3A_266, %and3A_271 : vector<256x1xi32>
    %and3A_273 = arith.constant 1023 : i32
    %and3A_274 = vector.broadcast %and3A_273 : i32 to vector<256x1xi32>
    %and3A_275 = arith.andi %shift_right_arithmetic3A_269, %and3A_274 : vector<256x1xi32>
    %eq3A_276 = vector.broadcast %iota3A_90 : vector<1x1024xi32> to vector<256x1024xi32>
    %eq3A_277 = vector.broadcast %and3A_275 : vector<256x1xi32> to vector<256x1024xi32>
    %eq3A_278 = arith.cmpi eq, %eq3A_276, %eq3A_277 : vector<256x1024xi32>
    %select_n3A_279 = arith.select %eq3A_278, %select_n3A_255, %select_n3A_251 : vector<256x1024xi1>, vector<256x1024xf32>
    %select_n3A_280 = arith.select %eq3A_278, %select_n3A_89, %select_n3A_252 : vector<256x1024xi1>, vector<256x1024xi32>
    %jit3A_281 = arith.constant 0x7F800000 : f32
    %broadcast_in_dim3A_282 = vector.broadcast %jit3A_281 : f32 to vector<256x1024xf32>
    %select_n3A_283 = arith.select %eq3A_278, %broadcast_in_dim3A_282, %select_n3A_255 : vector<256x1024xi1>, vector<256x1024xf32>
    %reduce_min3A_284 = arith.constant dense<0x7F800000> : vector<256xf32>
    %reduce_min3A_285 = vector.multi_reduction <minimumf>, %select_n3A_279, %reduce_min3A_284 [1] : vector<256x1024xf32> to vector<256xf32>
    %broadcast_in_dim3A_286 = vector.shape_cast %reduce_min3A_285 : vector<256xf32> to vector<256x1xf32>
    %eq3A_287 = vector.broadcast %broadcast_in_dim3A_286 : vector<256x1xf32> to vector<256x1024xf32>
    %eq3A_288 = arith.cmpf oeq, %select_n3A_279, %eq3A_287 : vector<256x1024xf32>
    %jit3A_289 = arith.constant 8192 : i32
    %broadcast_in_dim3A_290 = vector.broadcast %jit3A_289 : i32 to vector<256x1024xi32>
    %select_n3A_291 = arith.select %eq3A_288, %select_n3A_280, %broadcast_in_dim3A_290 : vector<256x1024xi1>, vector<256x1024xi32>
    %reduce_min3A_292 = arith.constant dense<2147483647> : vector<256xi32>
    %reduce_min3A_293 = vector.multi_reduction <minsi>, %select_n3A_291, %reduce_min3A_292 [1] : vector<256x1024xi32> to vector<256xi32>
    %broadcast_in_dim3A_294 = vector.shape_cast %reduce_min3A_293 : vector<256xi32> to vector<256x1xi32>
    %shift_right_arithmetic3A_295 = arith.constant 2 : i32
    %shift_right_arithmetic3A_296 = vector.broadcast %shift_right_arithmetic3A_295 : i32 to vector<256x1xi32>
    %shift_right_arithmetic3A_297 = arith.shrsi %broadcast_in_dim3A_294, %shift_right_arithmetic3A_296 : vector<256x1xi32>
    %and3A_298 = arith.constant 3 : i32
    %and3A_299 = vector.broadcast %and3A_298 : i32 to vector<256x1xi32>
    %and3A_300 = arith.andi %broadcast_in_dim3A_294, %and3A_299 : vector<256x1xi32>
    %and3A_301 = arith.constant 1023 : i32
    %and3A_302 = vector.broadcast %and3A_301 : i32 to vector<256x1xi32>
    %and3A_303 = arith.andi %shift_right_arithmetic3A_297, %and3A_302 : vector<256x1xi32>
    %eq3A_304 = vector.broadcast %iota3A_90 : vector<1x1024xi32> to vector<256x1024xi32>
    %eq3A_305 = vector.broadcast %and3A_303 : vector<256x1xi32> to vector<256x1024xi32>
    %eq3A_306 = arith.cmpi eq, %eq3A_304, %eq3A_305 : vector<256x1024xi32>
    %select_n3A_307 = arith.select %eq3A_306, %select_n3A_283, %select_n3A_279 : vector<256x1024xi1>, vector<256x1024xf32>
    %select_n3A_308 = arith.select %eq3A_306, %select_n3A_89, %select_n3A_280 : vector<256x1024xi1>, vector<256x1024xi32>
    %jit3A_309 = arith.constant 0x7F800000 : f32
    %broadcast_in_dim3A_310 = vector.broadcast %jit3A_309 : f32 to vector<256x1024xf32>
    %select_n3A_311 = arith.select %eq3A_306, %broadcast_in_dim3A_310, %select_n3A_283 : vector<256x1024xi1>, vector<256x1024xf32>
    %reduce_min3A_312 = arith.constant dense<0x7F800000> : vector<256xf32>
    %reduce_min3A_313 = vector.multi_reduction <minimumf>, %select_n3A_307, %reduce_min3A_312 [1] : vector<256x1024xf32> to vector<256xf32>
    %broadcast_in_dim3A_314 = vector.shape_cast %reduce_min3A_313 : vector<256xf32> to vector<256x1xf32>
    %eq3A_315 = vector.broadcast %broadcast_in_dim3A_314 : vector<256x1xf32> to vector<256x1024xf32>
    %eq3A_316 = arith.cmpf oeq, %select_n3A_307, %eq3A_315 : vector<256x1024xf32>
    %jit3A_317 = arith.constant 8192 : i32
    %broadcast_in_dim3A_318 = vector.broadcast %jit3A_317 : i32 to vector<256x1024xi32>
    %select_n3A_319 = arith.select %eq3A_316, %select_n3A_308, %broadcast_in_dim3A_318 : vector<256x1024xi1>, vector<256x1024xi32>
    %reduce_min3A_320 = arith.constant dense<2147483647> : vector<256xi32>
    %reduce_min3A_321 = vector.multi_reduction <minsi>, %select_n3A_319, %reduce_min3A_320 [1] : vector<256x1024xi32> to vector<256xi32>
    %broadcast_in_dim3A_322 = vector.shape_cast %reduce_min3A_321 : vector<256xi32> to vector<256x1xi32>
    %shift_right_arithmetic3A_323 = arith.constant 2 : i32
    %shift_right_arithmetic3A_324 = vector.broadcast %shift_right_arithmetic3A_323 : i32 to vector<256x1xi32>
    %shift_right_arithmetic3A_325 = arith.shrsi %broadcast_in_dim3A_322, %shift_right_arithmetic3A_324 : vector<256x1xi32>
    %and3A_326 = arith.constant 3 : i32
    %and3A_327 = vector.broadcast %and3A_326 : i32 to vector<256x1xi32>
    %and3A_328 = arith.andi %broadcast_in_dim3A_322, %and3A_327 : vector<256x1xi32>
    %and3A_329 = arith.constant 1023 : i32
    %and3A_330 = vector.broadcast %and3A_329 : i32 to vector<256x1xi32>
    %and3A_331 = arith.andi %shift_right_arithmetic3A_325, %and3A_330 : vector<256x1xi32>
    %eq3A_332 = vector.broadcast %iota3A_90 : vector<1x1024xi32> to vector<256x1024xi32>
    %eq3A_333 = vector.broadcast %and3A_331 : vector<256x1xi32> to vector<256x1024xi32>
    %eq3A_334 = arith.cmpi eq, %eq3A_332, %eq3A_333 : vector<256x1024xi32>
    %select_n3A_335 = arith.select %eq3A_334, %select_n3A_311, %select_n3A_307 : vector<256x1024xi1>, vector<256x1024xf32>
    %select_n3A_336 = arith.select %eq3A_334, %select_n3A_89, %select_n3A_308 : vector<256x1024xi1>, vector<256x1024xi32>
    %jit3A_337 = arith.constant 0x7F800000 : f32
    %broadcast_in_dim3A_338 = vector.broadcast %jit3A_337 : f32 to vector<256x1024xf32>
    %select_n3A_339 = arith.select %eq3A_334, %broadcast_in_dim3A_338, %select_n3A_311 : vector<256x1024xi1>, vector<256x1024xf32>
    %reduce_min3A_340 = arith.constant dense<0x7F800000> : vector<256xf32>
    %reduce_min3A_341 = vector.multi_reduction <minimumf>, %select_n3A_335, %reduce_min3A_340 [1] : vector<256x1024xf32> to vector<256xf32>
    %broadcast_in_dim3A_342 = vector.shape_cast %reduce_min3A_341 : vector<256xf32> to vector<256x1xf32>
    %eq3A_343 = vector.broadcast %broadcast_in_dim3A_342 : vector<256x1xf32> to vector<256x1024xf32>
    %eq3A_344 = arith.cmpf oeq, %select_n3A_335, %eq3A_343 : vector<256x1024xf32>
    %jit3A_345 = arith.constant 8192 : i32
    %broadcast_in_dim3A_346 = vector.broadcast %jit3A_345 : i32 to vector<256x1024xi32>
    %select_n3A_347 = arith.select %eq3A_344, %select_n3A_336, %broadcast_in_dim3A_346 : vector<256x1024xi1>, vector<256x1024xi32>
    %reduce_min3A_348 = arith.constant dense<2147483647> : vector<256xi32>
    %reduce_min3A_349 = vector.multi_reduction <minsi>, %select_n3A_347, %reduce_min3A_348 [1] : vector<256x1024xi32> to vector<256xi32>
    %broadcast_in_dim3A_350 = vector.shape_cast %reduce_min3A_349 : vector<256xi32> to vector<256x1xi32>
    %shift_right_arithmetic3A_351 = arith.constant 2 : i32
    %shift_right_arithmetic3A_352 = vector.broadcast %shift_right_arithmetic3A_351 : i32 to vector<256x1xi32>
    %shift_right_arithmetic3A_353 = arith.shrsi %broadcast_in_dim3A_350, %shift_right_arithmetic3A_352 : vector<256x1xi32>
    %and3A_354 = arith.constant 3 : i32
    %and3A_355 = vector.broadcast %and3A_354 : i32 to vector<256x1xi32>
    %and3A_356 = arith.andi %broadcast_in_dim3A_350, %and3A_355 : vector<256x1xi32>
    %and3A_357 = arith.constant 1023 : i32
    %and3A_358 = vector.broadcast %and3A_357 : i32 to vector<256x1xi32>
    %and3A_359 = arith.andi %shift_right_arithmetic3A_353, %and3A_358 : vector<256x1xi32>
    %eq3A_360 = vector.broadcast %iota3A_90 : vector<1x1024xi32> to vector<256x1024xi32>
    %eq3A_361 = vector.broadcast %and3A_359 : vector<256x1xi32> to vector<256x1024xi32>
    %eq3A_362 = arith.cmpi eq, %eq3A_360, %eq3A_361 : vector<256x1024xi32>
    %select_n3A_363 = arith.select %eq3A_362, %select_n3A_339, %select_n3A_335 : vector<256x1024xi1>, vector<256x1024xf32>
    %select_n3A_364 = arith.select %eq3A_362, %select_n3A_89, %select_n3A_336 : vector<256x1024xi1>, vector<256x1024xi32>
    %jit3A_365 = arith.constant 0x7F800000 : f32
    %broadcast_in_dim3A_366 = vector.broadcast %jit3A_365 : f32 to vector<256x1024xf32>
    %select_n3A_367 = arith.select %eq3A_362, %broadcast_in_dim3A_366, %select_n3A_339 : vector<256x1024xi1>, vector<256x1024xf32>
    %reduce_min3A_368 = arith.constant dense<0x7F800000> : vector<256xf32>
    %reduce_min3A_369 = vector.multi_reduction <minimumf>, %select_n3A_363, %reduce_min3A_368 [1] : vector<256x1024xf32> to vector<256xf32>
    %broadcast_in_dim3A_370 = vector.shape_cast %reduce_min3A_369 : vector<256xf32> to vector<256x1xf32>
    %eq3A_371 = vector.broadcast %broadcast_in_dim3A_370 : vector<256x1xf32> to vector<256x1024xf32>
    %eq3A_372 = arith.cmpf oeq, %select_n3A_363, %eq3A_371 : vector<256x1024xf32>
    %jit3A_373 = arith.constant 8192 : i32
    %broadcast_in_dim3A_374 = vector.broadcast %jit3A_373 : i32 to vector<256x1024xi32>
    %select_n3A_375 = arith.select %eq3A_372, %select_n3A_364, %broadcast_in_dim3A_374 : vector<256x1024xi1>, vector<256x1024xi32>
    %reduce_min3A_376 = arith.constant dense<2147483647> : vector<256xi32>
    %reduce_min3A_377 = vector.multi_reduction <minsi>, %select_n3A_375, %reduce_min3A_376 [1] : vector<256x1024xi32> to vector<256xi32>
    %broadcast_in_dim3A_378 = vector.shape_cast %reduce_min3A_377 : vector<256xi32> to vector<256x1xi32>
    %shift_right_arithmetic3A_379 = arith.constant 2 : i32
    %shift_right_arithmetic3A_380 = vector.broadcast %shift_right_arithmetic3A_379 : i32 to vector<256x1xi32>
    %shift_right_arithmetic3A_381 = arith.shrsi %broadcast_in_dim3A_378, %shift_right_arithmetic3A_380 : vector<256x1xi32>
    %and3A_382 = arith.constant 3 : i32
    %and3A_383 = vector.broadcast %and3A_382 : i32 to vector<256x1xi32>
    %and3A_384 = arith.andi %broadcast_in_dim3A_378, %and3A_383 : vector<256x1xi32>
    %and3A_385 = arith.constant 1023 : i32
    %and3A_386 = vector.broadcast %and3A_385 : i32 to vector<256x1xi32>
    %and3A_387 = arith.andi %shift_right_arithmetic3A_381, %and3A_386 : vector<256x1xi32>
    %eq3A_388 = vector.broadcast %iota3A_90 : vector<1x1024xi32> to vector<256x1024xi32>
    %eq3A_389 = vector.broadcast %and3A_387 : vector<256x1xi32> to vector<256x1024xi32>
    %eq3A_390 = arith.cmpi eq, %eq3A_388, %eq3A_389 : vector<256x1024xi32>
    %select_n3A_391 = arith.select %eq3A_390, %select_n3A_367, %select_n3A_363 : vector<256x1024xi1>, vector<256x1024xf32>
    %select_n3A_392 = arith.select %eq3A_390, %select_n3A_89, %select_n3A_364 : vector<256x1024xi1>, vector<256x1024xi32>
    %jit3A_393 = arith.constant 0x7F800000 : f32
    %broadcast_in_dim3A_394 = vector.broadcast %jit3A_393 : f32 to vector<256x1024xf32>
    %select_n3A_395 = arith.select %eq3A_390, %broadcast_in_dim3A_394, %select_n3A_367 : vector<256x1024xi1>, vector<256x1024xf32>
    %reduce_min3A_396 = arith.constant dense<0x7F800000> : vector<256xf32>
    %reduce_min3A_397 = vector.multi_reduction <minimumf>, %select_n3A_391, %reduce_min3A_396 [1] : vector<256x1024xf32> to vector<256xf32>
    %broadcast_in_dim3A_398 = vector.shape_cast %reduce_min3A_397 : vector<256xf32> to vector<256x1xf32>
    %eq3A_399 = vector.broadcast %broadcast_in_dim3A_398 : vector<256x1xf32> to vector<256x1024xf32>
    %eq3A_400 = arith.cmpf oeq, %select_n3A_391, %eq3A_399 : vector<256x1024xf32>
    %jit3A_401 = arith.constant 8192 : i32
    %broadcast_in_dim3A_402 = vector.broadcast %jit3A_401 : i32 to vector<256x1024xi32>
    %select_n3A_403 = arith.select %eq3A_400, %select_n3A_392, %broadcast_in_dim3A_402 : vector<256x1024xi1>, vector<256x1024xi32>
    %reduce_min3A_404 = arith.constant dense<2147483647> : vector<256xi32>
    %reduce_min3A_405 = vector.multi_reduction <minsi>, %select_n3A_403, %reduce_min3A_404 [1] : vector<256x1024xi32> to vector<256xi32>
    %broadcast_in_dim3A_406 = vector.shape_cast %reduce_min3A_405 : vector<256xi32> to vector<256x1xi32>
    %shift_right_arithmetic3A_407 = arith.constant 2 : i32
    %shift_right_arithmetic3A_408 = vector.broadcast %shift_right_arithmetic3A_407 : i32 to vector<256x1xi32>
    %shift_right_arithmetic3A_409 = arith.shrsi %broadcast_in_dim3A_406, %shift_right_arithmetic3A_408 : vector<256x1xi32>
    %and3A_410 = arith.constant 3 : i32
    %and3A_411 = vector.broadcast %and3A_410 : i32 to vector<256x1xi32>
    %and3A_412 = arith.andi %broadcast_in_dim3A_406, %and3A_411 : vector<256x1xi32>
    %and3A_413 = arith.constant 1023 : i32
    %and3A_414 = vector.broadcast %and3A_413 : i32 to vector<256x1xi32>
    %and3A_415 = arith.andi %shift_right_arithmetic3A_409, %and3A_414 : vector<256x1xi32>
    %eq3A_416 = vector.broadcast %iota3A_90 : vector<1x1024xi32> to vector<256x1024xi32>
    %eq3A_417 = vector.broadcast %and3A_415 : vector<256x1xi32> to vector<256x1024xi32>
    %eq3A_418 = arith.cmpi eq, %eq3A_416, %eq3A_417 : vector<256x1024xi32>
    %select_n3A_419 = arith.select %eq3A_418, %select_n3A_395, %select_n3A_391 : vector<256x1024xi1>, vector<256x1024xf32>
    %select_n3A_420 = arith.select %eq3A_418, %select_n3A_89, %select_n3A_392 : vector<256x1024xi1>, vector<256x1024xi32>
    %jit3A_421 = arith.constant 0x7F800000 : f32
    %broadcast_in_dim3A_422 = vector.broadcast %jit3A_421 : f32 to vector<256x1024xf32>
    %select_n3A_423 = arith.select %eq3A_418, %broadcast_in_dim3A_422, %select_n3A_395 : vector<256x1024xi1>, vector<256x1024xf32>
    %reduce_min3A_424 = arith.constant dense<0x7F800000> : vector<256xf32>
    %reduce_min3A_425 = vector.multi_reduction <minimumf>, %select_n3A_419, %reduce_min3A_424 [1] : vector<256x1024xf32> to vector<256xf32>
    %broadcast_in_dim3A_426 = vector.shape_cast %reduce_min3A_425 : vector<256xf32> to vector<256x1xf32>
    %eq3A_427 = vector.broadcast %broadcast_in_dim3A_426 : vector<256x1xf32> to vector<256x1024xf32>
    %eq3A_428 = arith.cmpf oeq, %select_n3A_419, %eq3A_427 : vector<256x1024xf32>
    %jit3A_429 = arith.constant 8192 : i32
    %broadcast_in_dim3A_430 = vector.broadcast %jit3A_429 : i32 to vector<256x1024xi32>
    %select_n3A_431 = arith.select %eq3A_428, %select_n3A_420, %broadcast_in_dim3A_430 : vector<256x1024xi1>, vector<256x1024xi32>
    %reduce_min3A_432 = arith.constant dense<2147483647> : vector<256xi32>
    %reduce_min3A_433 = vector.multi_reduction <minsi>, %select_n3A_431, %reduce_min3A_432 [1] : vector<256x1024xi32> to vector<256xi32>
    %broadcast_in_dim3A_434 = vector.shape_cast %reduce_min3A_433 : vector<256xi32> to vector<256x1xi32>
    %shift_right_arithmetic3A_435 = arith.constant 2 : i32
    %shift_right_arithmetic3A_436 = vector.broadcast %shift_right_arithmetic3A_435 : i32 to vector<256x1xi32>
    %shift_right_arithmetic3A_437 = arith.shrsi %broadcast_in_dim3A_434, %shift_right_arithmetic3A_436 : vector<256x1xi32>
    %and3A_438 = arith.constant 3 : i32
    %and3A_439 = vector.broadcast %and3A_438 : i32 to vector<256x1xi32>
    %and3A_440 = arith.andi %broadcast_in_dim3A_434, %and3A_439 : vector<256x1xi32>
    %and3A_441 = arith.constant 1023 : i32
    %and3A_442 = vector.broadcast %and3A_441 : i32 to vector<256x1xi32>
    %and3A_443 = arith.andi %shift_right_arithmetic3A_437, %and3A_442 : vector<256x1xi32>
    %eq3A_444 = vector.broadcast %iota3A_90 : vector<1x1024xi32> to vector<256x1024xi32>
    %eq3A_445 = vector.broadcast %and3A_443 : vector<256x1xi32> to vector<256x1024xi32>
    %eq3A_446 = arith.cmpi eq, %eq3A_444, %eq3A_445 : vector<256x1024xi32>
    %select_n3A_447 = arith.select %eq3A_446, %select_n3A_423, %select_n3A_419 : vector<256x1024xi1>, vector<256x1024xf32>
    %select_n3A_448 = arith.select %eq3A_446, %select_n3A_89, %select_n3A_420 : vector<256x1024xi1>, vector<256x1024xi32>
    %jit3A_449 = arith.constant 0x7F800000 : f32
    %broadcast_in_dim3A_450 = vector.broadcast %jit3A_449 : f32 to vector<256x1024xf32>
    %select_n3A_451 = arith.select %eq3A_446, %broadcast_in_dim3A_450, %select_n3A_423 : vector<256x1024xi1>, vector<256x1024xf32>
    %reduce_min3A_452 = arith.constant dense<0x7F800000> : vector<256xf32>
    %reduce_min3A_453 = vector.multi_reduction <minimumf>, %select_n3A_447, %reduce_min3A_452 [1] : vector<256x1024xf32> to vector<256xf32>
    %broadcast_in_dim3A_454 = vector.shape_cast %reduce_min3A_453 : vector<256xf32> to vector<256x1xf32>
    %eq3A_455 = vector.broadcast %broadcast_in_dim3A_454 : vector<256x1xf32> to vector<256x1024xf32>
    %eq3A_456 = arith.cmpf oeq, %select_n3A_447, %eq3A_455 : vector<256x1024xf32>
    %jit3A_457 = arith.constant 8192 : i32
    %broadcast_in_dim3A_458 = vector.broadcast %jit3A_457 : i32 to vector<256x1024xi32>
    %select_n3A_459 = arith.select %eq3A_456, %select_n3A_448, %broadcast_in_dim3A_458 : vector<256x1024xi1>, vector<256x1024xi32>
    %reduce_min3A_460 = arith.constant dense<2147483647> : vector<256xi32>
    %reduce_min3A_461 = vector.multi_reduction <minsi>, %select_n3A_459, %reduce_min3A_460 [1] : vector<256x1024xi32> to vector<256xi32>
    %broadcast_in_dim3A_462 = vector.shape_cast %reduce_min3A_461 : vector<256xi32> to vector<256x1xi32>
    %shift_right_arithmetic3A_463 = arith.constant 2 : i32
    %shift_right_arithmetic3A_464 = vector.broadcast %shift_right_arithmetic3A_463 : i32 to vector<256x1xi32>
    %shift_right_arithmetic3A_465 = arith.shrsi %broadcast_in_dim3A_462, %shift_right_arithmetic3A_464 : vector<256x1xi32>
    %and3A_466 = arith.constant 3 : i32
    %and3A_467 = vector.broadcast %and3A_466 : i32 to vector<256x1xi32>
    %and3A_468 = arith.andi %broadcast_in_dim3A_462, %and3A_467 : vector<256x1xi32>
    %and3A_469 = arith.constant 1023 : i32
    %and3A_470 = vector.broadcast %and3A_469 : i32 to vector<256x1xi32>
    %and3A_471 = arith.andi %shift_right_arithmetic3A_465, %and3A_470 : vector<256x1xi32>
    %eq3A_472 = vector.broadcast %iota3A_90 : vector<1x1024xi32> to vector<256x1024xi32>
    %eq3A_473 = vector.broadcast %and3A_471 : vector<256x1xi32> to vector<256x1024xi32>
    %eq3A_474 = arith.cmpi eq, %eq3A_472, %eq3A_473 : vector<256x1024xi32>
    %select_n3A_475 = arith.select %eq3A_474, %select_n3A_451, %select_n3A_447 : vector<256x1024xi1>, vector<256x1024xf32>
    %select_n3A_476 = arith.select %eq3A_474, %select_n3A_89, %select_n3A_448 : vector<256x1024xi1>, vector<256x1024xi32>
    %jit3A_477 = arith.constant 0x7F800000 : f32
    %broadcast_in_dim3A_478 = vector.broadcast %jit3A_477 : f32 to vector<256x1024xf32>
    %select_n3A_479 = arith.select %eq3A_474, %broadcast_in_dim3A_478, %select_n3A_451 : vector<256x1024xi1>, vector<256x1024xf32>
    %reduce_min3A_480 = arith.constant dense<0x7F800000> : vector<256xf32>
    %reduce_min3A_481 = vector.multi_reduction <minimumf>, %select_n3A_475, %reduce_min3A_480 [1] : vector<256x1024xf32> to vector<256xf32>
    %broadcast_in_dim3A_482 = vector.shape_cast %reduce_min3A_481 : vector<256xf32> to vector<256x1xf32>
    %eq3A_483 = vector.broadcast %broadcast_in_dim3A_482 : vector<256x1xf32> to vector<256x1024xf32>
    %eq3A_484 = arith.cmpf oeq, %select_n3A_475, %eq3A_483 : vector<256x1024xf32>
    %jit3A_485 = arith.constant 8192 : i32
    %broadcast_in_dim3A_486 = vector.broadcast %jit3A_485 : i32 to vector<256x1024xi32>
    %select_n3A_487 = arith.select %eq3A_484, %select_n3A_476, %broadcast_in_dim3A_486 : vector<256x1024xi1>, vector<256x1024xi32>
    %reduce_min3A_488 = arith.constant dense<2147483647> : vector<256xi32>
    %reduce_min3A_489 = vector.multi_reduction <minsi>, %select_n3A_487, %reduce_min3A_488 [1] : vector<256x1024xi32> to vector<256xi32>
    %broadcast_in_dim3A_490 = vector.shape_cast %reduce_min3A_489 : vector<256xi32> to vector<256x1xi32>
    %shift_right_arithmetic3A_491 = arith.constant 2 : i32
    %shift_right_arithmetic3A_492 = vector.broadcast %shift_right_arithmetic3A_491 : i32 to vector<256x1xi32>
    %shift_right_arithmetic3A_493 = arith.shrsi %broadcast_in_dim3A_490, %shift_right_arithmetic3A_492 : vector<256x1xi32>
    %and3A_494 = arith.constant 3 : i32
    %and3A_495 = vector.broadcast %and3A_494 : i32 to vector<256x1xi32>
    %and3A_496 = arith.andi %broadcast_in_dim3A_490, %and3A_495 : vector<256x1xi32>
    %and3A_497 = arith.constant 1023 : i32
    %and3A_498 = vector.broadcast %and3A_497 : i32 to vector<256x1xi32>
    %and3A_499 = arith.andi %shift_right_arithmetic3A_493, %and3A_498 : vector<256x1xi32>
    %eq3A_500 = vector.broadcast %iota3A_90 : vector<1x1024xi32> to vector<256x1024xi32>
    %eq3A_501 = vector.broadcast %and3A_499 : vector<256x1xi32> to vector<256x1024xi32>
    %eq3A_502 = arith.cmpi eq, %eq3A_500, %eq3A_501 : vector<256x1024xi32>
    %select_n3A_503 = arith.select %eq3A_502, %select_n3A_479, %select_n3A_475 : vector<256x1024xi1>, vector<256x1024xf32>
    %select_n3A_504 = arith.select %eq3A_502, %select_n3A_89, %select_n3A_476 : vector<256x1024xi1>, vector<256x1024xi32>
    %jit3A_505 = arith.constant 0x7F800000 : f32
    %broadcast_in_dim3A_506 = vector.broadcast %jit3A_505 : f32 to vector<256x1024xf32>
    %select_n3A_507 = arith.select %eq3A_502, %broadcast_in_dim3A_506, %select_n3A_479 : vector<256x1024xi1>, vector<256x1024xf32>
    %reduce_min3A_508 = arith.constant dense<0x7F800000> : vector<256xf32>
    %reduce_min3A_509 = vector.multi_reduction <minimumf>, %select_n3A_503, %reduce_min3A_508 [1] : vector<256x1024xf32> to vector<256xf32>
    %broadcast_in_dim3A_510 = vector.shape_cast %reduce_min3A_509 : vector<256xf32> to vector<256x1xf32>
    %eq3A_511 = vector.broadcast %broadcast_in_dim3A_510 : vector<256x1xf32> to vector<256x1024xf32>
    %eq3A_512 = arith.cmpf oeq, %select_n3A_503, %eq3A_511 : vector<256x1024xf32>
    %jit3A_513 = arith.constant 8192 : i32
    %broadcast_in_dim3A_514 = vector.broadcast %jit3A_513 : i32 to vector<256x1024xi32>
    %select_n3A_515 = arith.select %eq3A_512, %select_n3A_504, %broadcast_in_dim3A_514 : vector<256x1024xi1>, vector<256x1024xi32>
    %reduce_min3A_516 = arith.constant dense<2147483647> : vector<256xi32>
    %reduce_min3A_517 = vector.multi_reduction <minsi>, %select_n3A_515, %reduce_min3A_516 [1] : vector<256x1024xi32> to vector<256xi32>
    %broadcast_in_dim3A_518 = vector.shape_cast %reduce_min3A_517 : vector<256xi32> to vector<256x1xi32>
    %shift_right_arithmetic3A_519 = arith.constant 2 : i32
    %shift_right_arithmetic3A_520 = vector.broadcast %shift_right_arithmetic3A_519 : i32 to vector<256x1xi32>
    %shift_right_arithmetic3A_521 = arith.shrsi %broadcast_in_dim3A_518, %shift_right_arithmetic3A_520 : vector<256x1xi32>
    %and3A_522 = arith.constant 3 : i32
    %and3A_523 = vector.broadcast %and3A_522 : i32 to vector<256x1xi32>
    %and3A_524 = arith.andi %broadcast_in_dim3A_518, %and3A_523 : vector<256x1xi32>
    %and3A_525 = arith.constant 1023 : i32
    %and3A_526 = vector.broadcast %and3A_525 : i32 to vector<256x1xi32>
    %and3A_527 = arith.andi %shift_right_arithmetic3A_521, %and3A_526 : vector<256x1xi32>
    %eq3A_528 = vector.broadcast %iota3A_90 : vector<1x1024xi32> to vector<256x1024xi32>
    %eq3A_529 = vector.broadcast %and3A_527 : vector<256x1xi32> to vector<256x1024xi32>
    %eq3A_530 = arith.cmpi eq, %eq3A_528, %eq3A_529 : vector<256x1024xi32>
    %select_n3A_531 = arith.select %eq3A_530, %select_n3A_507, %select_n3A_503 : vector<256x1024xi1>, vector<256x1024xf32>
    %select_n3A_532 = arith.select %eq3A_530, %select_n3A_89, %select_n3A_504 : vector<256x1024xi1>, vector<256x1024xi32>
    %jit3A_533 = arith.constant 0x7F800000 : f32
    %broadcast_in_dim3A_534 = vector.broadcast %jit3A_533 : f32 to vector<256x1024xf32>
    %select_n3A_535 = arith.select %eq3A_530, %broadcast_in_dim3A_534, %select_n3A_507 : vector<256x1024xi1>, vector<256x1024xf32>
    %reduce_min3A_536 = arith.constant dense<0x7F800000> : vector<256xf32>
    %reduce_min3A_537 = vector.multi_reduction <minimumf>, %select_n3A_531, %reduce_min3A_536 [1] : vector<256x1024xf32> to vector<256xf32>
    %broadcast_in_dim3A_538 = vector.shape_cast %reduce_min3A_537 : vector<256xf32> to vector<256x1xf32>
    %eq3A_539 = vector.broadcast %broadcast_in_dim3A_538 : vector<256x1xf32> to vector<256x1024xf32>
    %eq3A_540 = arith.cmpf oeq, %select_n3A_531, %eq3A_539 : vector<256x1024xf32>
    %jit3A_541 = arith.constant 8192 : i32
    %broadcast_in_dim3A_542 = vector.broadcast %jit3A_541 : i32 to vector<256x1024xi32>
    %select_n3A_543 = arith.select %eq3A_540, %select_n3A_532, %broadcast_in_dim3A_542 : vector<256x1024xi1>, vector<256x1024xi32>
    %reduce_min3A_544 = arith.constant dense<2147483647> : vector<256xi32>
    %reduce_min3A_545 = vector.multi_reduction <minsi>, %select_n3A_543, %reduce_min3A_544 [1] : vector<256x1024xi32> to vector<256xi32>
    %broadcast_in_dim3A_546 = vector.shape_cast %reduce_min3A_545 : vector<256xi32> to vector<256x1xi32>
    %shift_right_arithmetic3A_547 = arith.constant 2 : i32
    %shift_right_arithmetic3A_548 = vector.broadcast %shift_right_arithmetic3A_547 : i32 to vector<256x1xi32>
    %shift_right_arithmetic3A_549 = arith.shrsi %broadcast_in_dim3A_546, %shift_right_arithmetic3A_548 : vector<256x1xi32>
    %and3A_550 = arith.constant 3 : i32
    %and3A_551 = vector.broadcast %and3A_550 : i32 to vector<256x1xi32>
    %and3A_552 = arith.andi %broadcast_in_dim3A_546, %and3A_551 : vector<256x1xi32>
    %and3A_553 = arith.constant 1023 : i32
    %and3A_554 = vector.broadcast %and3A_553 : i32 to vector<256x1xi32>
    %and3A_555 = arith.andi %shift_right_arithmetic3A_549, %and3A_554 : vector<256x1xi32>
    %eq3A_556 = vector.broadcast %iota3A_90 : vector<1x1024xi32> to vector<256x1024xi32>
    %eq3A_557 = vector.broadcast %and3A_555 : vector<256x1xi32> to vector<256x1024xi32>
    %eq3A_558 = arith.cmpi eq, %eq3A_556, %eq3A_557 : vector<256x1024xi32>
    %select_n3A_559 = arith.select %eq3A_558, %select_n3A_535, %select_n3A_531 : vector<256x1024xi1>, vector<256x1024xf32>
    %select_n3A_560 = arith.select %eq3A_558, %select_n3A_89, %select_n3A_532 : vector<256x1024xi1>, vector<256x1024xi32>
    %jit3A_561 = arith.constant 0x7F800000 : f32
    %broadcast_in_dim3A_562 = vector.broadcast %jit3A_561 : f32 to vector<256x1024xf32>
    %select_n3A_563 = arith.select %eq3A_558, %broadcast_in_dim3A_562, %select_n3A_535 : vector<256x1024xi1>, vector<256x1024xf32>
    %reduce_min3A_564 = arith.constant dense<0x7F800000> : vector<256xf32>
    %reduce_min3A_565 = vector.multi_reduction <minimumf>, %select_n3A_559, %reduce_min3A_564 [1] : vector<256x1024xf32> to vector<256xf32>
    %broadcast_in_dim3A_566 = vector.shape_cast %reduce_min3A_565 : vector<256xf32> to vector<256x1xf32>
    %eq3A_567 = vector.broadcast %broadcast_in_dim3A_566 : vector<256x1xf32> to vector<256x1024xf32>
    %eq3A_568 = arith.cmpf oeq, %select_n3A_559, %eq3A_567 : vector<256x1024xf32>
    %jit3A_569 = arith.constant 8192 : i32
    %broadcast_in_dim3A_570 = vector.broadcast %jit3A_569 : i32 to vector<256x1024xi32>
    %select_n3A_571 = arith.select %eq3A_568, %select_n3A_560, %broadcast_in_dim3A_570 : vector<256x1024xi1>, vector<256x1024xi32>
    %reduce_min3A_572 = arith.constant dense<2147483647> : vector<256xi32>
    %reduce_min3A_573 = vector.multi_reduction <minsi>, %select_n3A_571, %reduce_min3A_572 [1] : vector<256x1024xi32> to vector<256xi32>
    %broadcast_in_dim3A_574 = vector.shape_cast %reduce_min3A_573 : vector<256xi32> to vector<256x1xi32>
    %shift_right_arithmetic3A_575 = arith.constant 2 : i32
    %shift_right_arithmetic3A_576 = vector.broadcast %shift_right_arithmetic3A_575 : i32 to vector<256x1xi32>
    %shift_right_arithmetic3A_577 = arith.shrsi %broadcast_in_dim3A_574, %shift_right_arithmetic3A_576 : vector<256x1xi32>
    %and3A_578 = arith.constant 3 : i32
    %and3A_579 = vector.broadcast %and3A_578 : i32 to vector<256x1xi32>
    %and3A_580 = arith.andi %broadcast_in_dim3A_574, %and3A_579 : vector<256x1xi32>
    %and3A_581 = arith.constant 1023 : i32
    %and3A_582 = vector.broadcast %and3A_581 : i32 to vector<256x1xi32>
    %and3A_583 = arith.andi %shift_right_arithmetic3A_577, %and3A_582 : vector<256x1xi32>
    %eq3A_584 = vector.broadcast %iota3A_90 : vector<1x1024xi32> to vector<256x1024xi32>
    %eq3A_585 = vector.broadcast %and3A_583 : vector<256x1xi32> to vector<256x1024xi32>
    %eq3A_586 = arith.cmpi eq, %eq3A_584, %eq3A_585 : vector<256x1024xi32>
    %select_n3A_587 = arith.select %eq3A_586, %select_n3A_563, %select_n3A_559 : vector<256x1024xi1>, vector<256x1024xf32>
    %select_n3A_588 = arith.select %eq3A_586, %select_n3A_89, %select_n3A_560 : vector<256x1024xi1>, vector<256x1024xi32>
    %jit3A_589 = arith.constant 0x7F800000 : f32
    %broadcast_in_dim3A_590 = vector.broadcast %jit3A_589 : f32 to vector<256x1024xf32>
    %select_n3A_591 = arith.select %eq3A_586, %broadcast_in_dim3A_590, %select_n3A_563 : vector<256x1024xi1>, vector<256x1024xf32>
    %reduce_min3A_592 = arith.constant dense<0x7F800000> : vector<256xf32>
    %reduce_min3A_593 = vector.multi_reduction <minimumf>, %select_n3A_587, %reduce_min3A_592 [1] : vector<256x1024xf32> to vector<256xf32>
    %broadcast_in_dim3A_594 = vector.shape_cast %reduce_min3A_593 : vector<256xf32> to vector<256x1xf32>
    %eq3A_595 = vector.broadcast %broadcast_in_dim3A_594 : vector<256x1xf32> to vector<256x1024xf32>
    %eq3A_596 = arith.cmpf oeq, %select_n3A_587, %eq3A_595 : vector<256x1024xf32>
    %jit3A_597 = arith.constant 8192 : i32
    %broadcast_in_dim3A_598 = vector.broadcast %jit3A_597 : i32 to vector<256x1024xi32>
    %select_n3A_599 = arith.select %eq3A_596, %select_n3A_588, %broadcast_in_dim3A_598 : vector<256x1024xi1>, vector<256x1024xi32>
    %reduce_min3A_600 = arith.constant dense<2147483647> : vector<256xi32>
    %reduce_min3A_601 = vector.multi_reduction <minsi>, %select_n3A_599, %reduce_min3A_600 [1] : vector<256x1024xi32> to vector<256xi32>
    %broadcast_in_dim3A_602 = vector.shape_cast %reduce_min3A_601 : vector<256xi32> to vector<256x1xi32>
    %shift_right_arithmetic3A_603 = arith.constant 2 : i32
    %shift_right_arithmetic3A_604 = vector.broadcast %shift_right_arithmetic3A_603 : i32 to vector<256x1xi32>
    %shift_right_arithmetic3A_605 = arith.shrsi %broadcast_in_dim3A_602, %shift_right_arithmetic3A_604 : vector<256x1xi32>
    %and3A_606 = arith.constant 3 : i32
    %and3A_607 = vector.broadcast %and3A_606 : i32 to vector<256x1xi32>
    %and3A_608 = arith.andi %broadcast_in_dim3A_602, %and3A_607 : vector<256x1xi32>
    %and3A_609 = arith.constant 1023 : i32
    %and3A_610 = vector.broadcast %and3A_609 : i32 to vector<256x1xi32>
    %and3A_611 = arith.andi %shift_right_arithmetic3A_605, %and3A_610 : vector<256x1xi32>
    %eq3A_612 = vector.broadcast %iota3A_90 : vector<1x1024xi32> to vector<256x1024xi32>
    %eq3A_613 = vector.broadcast %and3A_611 : vector<256x1xi32> to vector<256x1024xi32>
    %eq3A_614 = arith.cmpi eq, %eq3A_612, %eq3A_613 : vector<256x1024xi32>
    %select_n3A_615 = arith.select %eq3A_614, %select_n3A_591, %select_n3A_587 : vector<256x1024xi1>, vector<256x1024xf32>
    %select_n3A_616 = arith.select %eq3A_614, %select_n3A_89, %select_n3A_588 : vector<256x1024xi1>, vector<256x1024xi32>
    %jit3A_617 = arith.constant 0x7F800000 : f32
    %broadcast_in_dim3A_618 = vector.broadcast %jit3A_617 : f32 to vector<256x1024xf32>
    %select_n3A_619 = arith.select %eq3A_614, %broadcast_in_dim3A_618, %select_n3A_591 : vector<256x1024xi1>, vector<256x1024xf32>
    %reduce_min3A_620 = arith.constant dense<0x7F800000> : vector<256xf32>
    %reduce_min3A_621 = vector.multi_reduction <minimumf>, %select_n3A_615, %reduce_min3A_620 [1] : vector<256x1024xf32> to vector<256xf32>
    %broadcast_in_dim3A_622 = vector.shape_cast %reduce_min3A_621 : vector<256xf32> to vector<256x1xf32>
    %eq3A_623 = vector.broadcast %broadcast_in_dim3A_622 : vector<256x1xf32> to vector<256x1024xf32>
    %eq3A_624 = arith.cmpf oeq, %select_n3A_615, %eq3A_623 : vector<256x1024xf32>
    %jit3A_625 = arith.constant 8192 : i32
    %broadcast_in_dim3A_626 = vector.broadcast %jit3A_625 : i32 to vector<256x1024xi32>
    %select_n3A_627 = arith.select %eq3A_624, %select_n3A_616, %broadcast_in_dim3A_626 : vector<256x1024xi1>, vector<256x1024xi32>
    %reduce_min3A_628 = arith.constant dense<2147483647> : vector<256xi32>
    %reduce_min3A_629 = vector.multi_reduction <minsi>, %select_n3A_627, %reduce_min3A_628 [1] : vector<256x1024xi32> to vector<256xi32>
    %broadcast_in_dim3A_630 = vector.shape_cast %reduce_min3A_629 : vector<256xi32> to vector<256x1xi32>
    %shift_right_arithmetic3A_631 = arith.constant 2 : i32
    %shift_right_arithmetic3A_632 = vector.broadcast %shift_right_arithmetic3A_631 : i32 to vector<256x1xi32>
    %shift_right_arithmetic3A_633 = arith.shrsi %broadcast_in_dim3A_630, %shift_right_arithmetic3A_632 : vector<256x1xi32>
    %and3A_634 = arith.constant 3 : i32
    %and3A_635 = vector.broadcast %and3A_634 : i32 to vector<256x1xi32>
    %and3A_636 = arith.andi %broadcast_in_dim3A_630, %and3A_635 : vector<256x1xi32>
    %and3A_637 = arith.constant 1023 : i32
    %and3A_638 = vector.broadcast %and3A_637 : i32 to vector<256x1xi32>
    %and3A_639 = arith.andi %shift_right_arithmetic3A_633, %and3A_638 : vector<256x1xi32>
    %eq3A_640 = vector.broadcast %iota3A_90 : vector<1x1024xi32> to vector<256x1024xi32>
    %eq3A_641 = vector.broadcast %and3A_639 : vector<256x1xi32> to vector<256x1024xi32>
    %eq3A_642 = arith.cmpi eq, %eq3A_640, %eq3A_641 : vector<256x1024xi32>
    %select_n3A_643 = arith.select %eq3A_642, %select_n3A_619, %select_n3A_615 : vector<256x1024xi1>, vector<256x1024xf32>
    %select_n3A_644 = arith.select %eq3A_642, %select_n3A_89, %select_n3A_616 : vector<256x1024xi1>, vector<256x1024xi32>
    %jit3A_645 = arith.constant 0x7F800000 : f32
    %broadcast_in_dim3A_646 = vector.broadcast %jit3A_645 : f32 to vector<256x1024xf32>
    %select_n3A_647 = arith.select %eq3A_642, %broadcast_in_dim3A_646, %select_n3A_619 : vector<256x1024xi1>, vector<256x1024xf32>
    %reduce_min3A_648 = arith.constant dense<0x7F800000> : vector<256xf32>
    %reduce_min3A_649 = vector.multi_reduction <minimumf>, %select_n3A_643, %reduce_min3A_648 [1] : vector<256x1024xf32> to vector<256xf32>
    %broadcast_in_dim3A_650 = vector.shape_cast %reduce_min3A_649 : vector<256xf32> to vector<256x1xf32>
    %eq3A_651 = vector.broadcast %broadcast_in_dim3A_650 : vector<256x1xf32> to vector<256x1024xf32>
    %eq3A_652 = arith.cmpf oeq, %select_n3A_643, %eq3A_651 : vector<256x1024xf32>
    %jit3A_653 = arith.constant 8192 : i32
    %broadcast_in_dim3A_654 = vector.broadcast %jit3A_653 : i32 to vector<256x1024xi32>
    %select_n3A_655 = arith.select %eq3A_652, %select_n3A_644, %broadcast_in_dim3A_654 : vector<256x1024xi1>, vector<256x1024xi32>
    %reduce_min3A_656 = arith.constant dense<2147483647> : vector<256xi32>
    %reduce_min3A_657 = vector.multi_reduction <minsi>, %select_n3A_655, %reduce_min3A_656 [1] : vector<256x1024xi32> to vector<256xi32>
    %broadcast_in_dim3A_658 = vector.shape_cast %reduce_min3A_657 : vector<256xi32> to vector<256x1xi32>
    %shift_right_arithmetic3A_659 = arith.constant 2 : i32
    %shift_right_arithmetic3A_660 = vector.broadcast %shift_right_arithmetic3A_659 : i32 to vector<256x1xi32>
    %shift_right_arithmetic3A_661 = arith.shrsi %broadcast_in_dim3A_658, %shift_right_arithmetic3A_660 : vector<256x1xi32>
    %and3A_662 = arith.constant 3 : i32
    %and3A_663 = vector.broadcast %and3A_662 : i32 to vector<256x1xi32>
    %and3A_664 = arith.andi %broadcast_in_dim3A_658, %and3A_663 : vector<256x1xi32>
    %and3A_665 = arith.constant 1023 : i32
    %and3A_666 = vector.broadcast %and3A_665 : i32 to vector<256x1xi32>
    %and3A_667 = arith.andi %shift_right_arithmetic3A_661, %and3A_666 : vector<256x1xi32>
    %eq3A_668 = vector.broadcast %iota3A_90 : vector<1x1024xi32> to vector<256x1024xi32>
    %eq3A_669 = vector.broadcast %and3A_667 : vector<256x1xi32> to vector<256x1024xi32>
    %eq3A_670 = arith.cmpi eq, %eq3A_668, %eq3A_669 : vector<256x1024xi32>
    %select_n3A_671 = arith.select %eq3A_670, %select_n3A_647, %select_n3A_643 : vector<256x1024xi1>, vector<256x1024xf32>
    %select_n3A_672 = arith.select %eq3A_670, %select_n3A_89, %select_n3A_644 : vector<256x1024xi1>, vector<256x1024xi32>
    %jit3A_673 = arith.constant 0x7F800000 : f32
    %broadcast_in_dim3A_674 = vector.broadcast %jit3A_673 : f32 to vector<256x1024xf32>
    %select_n3A_675 = arith.select %eq3A_670, %broadcast_in_dim3A_674, %select_n3A_647 : vector<256x1024xi1>, vector<256x1024xf32>
    %reduce_min3A_676 = arith.constant dense<0x7F800000> : vector<256xf32>
    %reduce_min3A_677 = vector.multi_reduction <minimumf>, %select_n3A_671, %reduce_min3A_676 [1] : vector<256x1024xf32> to vector<256xf32>
    %broadcast_in_dim3A_678 = vector.shape_cast %reduce_min3A_677 : vector<256xf32> to vector<256x1xf32>
    %eq3A_679 = vector.broadcast %broadcast_in_dim3A_678 : vector<256x1xf32> to vector<256x1024xf32>
    %eq3A_680 = arith.cmpf oeq, %select_n3A_671, %eq3A_679 : vector<256x1024xf32>
    %jit3A_681 = arith.constant 8192 : i32
    %broadcast_in_dim3A_682 = vector.broadcast %jit3A_681 : i32 to vector<256x1024xi32>
    %select_n3A_683 = arith.select %eq3A_680, %select_n3A_672, %broadcast_in_dim3A_682 : vector<256x1024xi1>, vector<256x1024xi32>
    %reduce_min3A_684 = arith.constant dense<2147483647> : vector<256xi32>
    %reduce_min3A_685 = vector.multi_reduction <minsi>, %select_n3A_683, %reduce_min3A_684 [1] : vector<256x1024xi32> to vector<256xi32>
    %broadcast_in_dim3A_686 = vector.shape_cast %reduce_min3A_685 : vector<256xi32> to vector<256x1xi32>
    %shift_right_arithmetic3A_687 = arith.constant 2 : i32
    %shift_right_arithmetic3A_688 = vector.broadcast %shift_right_arithmetic3A_687 : i32 to vector<256x1xi32>
    %shift_right_arithmetic3A_689 = arith.shrsi %broadcast_in_dim3A_686, %shift_right_arithmetic3A_688 : vector<256x1xi32>
    %and3A_690 = arith.constant 3 : i32
    %and3A_691 = vector.broadcast %and3A_690 : i32 to vector<256x1xi32>
    %and3A_692 = arith.andi %broadcast_in_dim3A_686, %and3A_691 : vector<256x1xi32>
    %and3A_693 = arith.constant 1023 : i32
    %and3A_694 = vector.broadcast %and3A_693 : i32 to vector<256x1xi32>
    %and3A_695 = arith.andi %shift_right_arithmetic3A_689, %and3A_694 : vector<256x1xi32>
    %eq3A_696 = vector.broadcast %iota3A_90 : vector<1x1024xi32> to vector<256x1024xi32>
    %eq3A_697 = vector.broadcast %and3A_695 : vector<256x1xi32> to vector<256x1024xi32>
    %eq3A_698 = arith.cmpi eq, %eq3A_696, %eq3A_697 : vector<256x1024xi32>
    %select_n3A_699 = arith.select %eq3A_698, %select_n3A_675, %select_n3A_671 : vector<256x1024xi1>, vector<256x1024xf32>
    %select_n3A_700 = arith.select %eq3A_698, %select_n3A_89, %select_n3A_672 : vector<256x1024xi1>, vector<256x1024xi32>
    %jit3A_701 = arith.constant 0x7F800000 : f32
    %broadcast_in_dim3A_702 = vector.broadcast %jit3A_701 : f32 to vector<256x1024xf32>
    %select_n3A_703 = arith.select %eq3A_698, %broadcast_in_dim3A_702, %select_n3A_675 : vector<256x1024xi1>, vector<256x1024xf32>
    %reduce_min3A_704 = arith.constant dense<0x7F800000> : vector<256xf32>
    %reduce_min3A_705 = vector.multi_reduction <minimumf>, %select_n3A_699, %reduce_min3A_704 [1] : vector<256x1024xf32> to vector<256xf32>
    %broadcast_in_dim3A_706 = vector.shape_cast %reduce_min3A_705 : vector<256xf32> to vector<256x1xf32>
    %eq3A_707 = vector.broadcast %broadcast_in_dim3A_706 : vector<256x1xf32> to vector<256x1024xf32>
    %eq3A_708 = arith.cmpf oeq, %select_n3A_699, %eq3A_707 : vector<256x1024xf32>
    %jit3A_709 = arith.constant 8192 : i32
    %broadcast_in_dim3A_710 = vector.broadcast %jit3A_709 : i32 to vector<256x1024xi32>
    %select_n3A_711 = arith.select %eq3A_708, %select_n3A_700, %broadcast_in_dim3A_710 : vector<256x1024xi1>, vector<256x1024xi32>
    %reduce_min3A_712 = arith.constant dense<2147483647> : vector<256xi32>
    %reduce_min3A_713 = vector.multi_reduction <minsi>, %select_n3A_711, %reduce_min3A_712 [1] : vector<256x1024xi32> to vector<256xi32>
    %broadcast_in_dim3A_714 = vector.shape_cast %reduce_min3A_713 : vector<256xi32> to vector<256x1xi32>
    %shift_right_arithmetic3A_715 = arith.constant 2 : i32
    %shift_right_arithmetic3A_716 = vector.broadcast %shift_right_arithmetic3A_715 : i32 to vector<256x1xi32>
    %shift_right_arithmetic3A_717 = arith.shrsi %broadcast_in_dim3A_714, %shift_right_arithmetic3A_716 : vector<256x1xi32>
    %and3A_718 = arith.constant 3 : i32
    %and3A_719 = vector.broadcast %and3A_718 : i32 to vector<256x1xi32>
    %and3A_720 = arith.andi %broadcast_in_dim3A_714, %and3A_719 : vector<256x1xi32>
    %and3A_721 = arith.constant 1023 : i32
    %and3A_722 = vector.broadcast %and3A_721 : i32 to vector<256x1xi32>
    %and3A_723 = arith.andi %shift_right_arithmetic3A_717, %and3A_722 : vector<256x1xi32>
    %eq3A_724 = vector.broadcast %iota3A_90 : vector<1x1024xi32> to vector<256x1024xi32>
    %eq3A_725 = vector.broadcast %and3A_723 : vector<256x1xi32> to vector<256x1024xi32>
    %eq3A_726 = arith.cmpi eq, %eq3A_724, %eq3A_725 : vector<256x1024xi32>
    %select_n3A_727 = arith.select %eq3A_726, %select_n3A_703, %select_n3A_699 : vector<256x1024xi1>, vector<256x1024xf32>
    %select_n3A_728 = arith.select %eq3A_726, %select_n3A_89, %select_n3A_700 : vector<256x1024xi1>, vector<256x1024xi32>
    %jit3A_729 = arith.constant 0x7F800000 : f32
    %broadcast_in_dim3A_730 = vector.broadcast %jit3A_729 : f32 to vector<256x1024xf32>
    %select_n3A_731 = arith.select %eq3A_726, %broadcast_in_dim3A_730, %select_n3A_703 : vector<256x1024xi1>, vector<256x1024xf32>
    %reduce_min3A_732 = arith.constant dense<0x7F800000> : vector<256xf32>
    %reduce_min3A_733 = vector.multi_reduction <minimumf>, %select_n3A_727, %reduce_min3A_732 [1] : vector<256x1024xf32> to vector<256xf32>
    %broadcast_in_dim3A_734 = vector.shape_cast %reduce_min3A_733 : vector<256xf32> to vector<256x1xf32>
    %eq3A_735 = vector.broadcast %broadcast_in_dim3A_734 : vector<256x1xf32> to vector<256x1024xf32>
    %eq3A_736 = arith.cmpf oeq, %select_n3A_727, %eq3A_735 : vector<256x1024xf32>
    %jit3A_737 = arith.constant 8192 : i32
    %broadcast_in_dim3A_738 = vector.broadcast %jit3A_737 : i32 to vector<256x1024xi32>
    %select_n3A_739 = arith.select %eq3A_736, %select_n3A_728, %broadcast_in_dim3A_738 : vector<256x1024xi1>, vector<256x1024xi32>
    %reduce_min3A_740 = arith.constant dense<2147483647> : vector<256xi32>
    %reduce_min3A_741 = vector.multi_reduction <minsi>, %select_n3A_739, %reduce_min3A_740 [1] : vector<256x1024xi32> to vector<256xi32>
    %broadcast_in_dim3A_742 = vector.shape_cast %reduce_min3A_741 : vector<256xi32> to vector<256x1xi32>
    %shift_right_arithmetic3A_743 = arith.constant 2 : i32
    %shift_right_arithmetic3A_744 = vector.broadcast %shift_right_arithmetic3A_743 : i32 to vector<256x1xi32>
    %shift_right_arithmetic3A_745 = arith.shrsi %broadcast_in_dim3A_742, %shift_right_arithmetic3A_744 : vector<256x1xi32>
    %and3A_746 = arith.constant 3 : i32
    %and3A_747 = vector.broadcast %and3A_746 : i32 to vector<256x1xi32>
    %and3A_748 = arith.andi %broadcast_in_dim3A_742, %and3A_747 : vector<256x1xi32>
    %and3A_749 = arith.constant 1023 : i32
    %and3A_750 = vector.broadcast %and3A_749 : i32 to vector<256x1xi32>
    %and3A_751 = arith.andi %shift_right_arithmetic3A_745, %and3A_750 : vector<256x1xi32>
    %eq3A_752 = vector.broadcast %iota3A_90 : vector<1x1024xi32> to vector<256x1024xi32>
    %eq3A_753 = vector.broadcast %and3A_751 : vector<256x1xi32> to vector<256x1024xi32>
    %eq3A_754 = arith.cmpi eq, %eq3A_752, %eq3A_753 : vector<256x1024xi32>
    %select_n3A_755 = arith.select %eq3A_754, %select_n3A_731, %select_n3A_727 : vector<256x1024xi1>, vector<256x1024xf32>
    %select_n3A_756 = arith.select %eq3A_754, %select_n3A_89, %select_n3A_728 : vector<256x1024xi1>, vector<256x1024xi32>
    %jit3A_757 = arith.constant 0x7F800000 : f32
    %broadcast_in_dim3A_758 = vector.broadcast %jit3A_757 : f32 to vector<256x1024xf32>
    %select_n3A_759 = arith.select %eq3A_754, %broadcast_in_dim3A_758, %select_n3A_731 : vector<256x1024xi1>, vector<256x1024xf32>
    %reduce_min3A_760 = arith.constant dense<0x7F800000> : vector<256xf32>
    %reduce_min3A_761 = vector.multi_reduction <minimumf>, %select_n3A_755, %reduce_min3A_760 [1] : vector<256x1024xf32> to vector<256xf32>
    %broadcast_in_dim3A_762 = vector.shape_cast %reduce_min3A_761 : vector<256xf32> to vector<256x1xf32>
    %eq3A_763 = vector.broadcast %broadcast_in_dim3A_762 : vector<256x1xf32> to vector<256x1024xf32>
    %eq3A_764 = arith.cmpf oeq, %select_n3A_755, %eq3A_763 : vector<256x1024xf32>
    %jit3A_765 = arith.constant 8192 : i32
    %broadcast_in_dim3A_766 = vector.broadcast %jit3A_765 : i32 to vector<256x1024xi32>
    %select_n3A_767 = arith.select %eq3A_764, %select_n3A_756, %broadcast_in_dim3A_766 : vector<256x1024xi1>, vector<256x1024xi32>
    %reduce_min3A_768 = arith.constant dense<2147483647> : vector<256xi32>
    %reduce_min3A_769 = vector.multi_reduction <minsi>, %select_n3A_767, %reduce_min3A_768 [1] : vector<256x1024xi32> to vector<256xi32>
    %broadcast_in_dim3A_770 = vector.shape_cast %reduce_min3A_769 : vector<256xi32> to vector<256x1xi32>
    %shift_right_arithmetic3A_771 = arith.constant 2 : i32
    %shift_right_arithmetic3A_772 = vector.broadcast %shift_right_arithmetic3A_771 : i32 to vector<256x1xi32>
    %shift_right_arithmetic3A_773 = arith.shrsi %broadcast_in_dim3A_770, %shift_right_arithmetic3A_772 : vector<256x1xi32>
    %and3A_774 = arith.constant 3 : i32
    %and3A_775 = vector.broadcast %and3A_774 : i32 to vector<256x1xi32>
    %and3A_776 = arith.andi %broadcast_in_dim3A_770, %and3A_775 : vector<256x1xi32>
    %and3A_777 = arith.constant 1023 : i32
    %and3A_778 = vector.broadcast %and3A_777 : i32 to vector<256x1xi32>
    %and3A_779 = arith.andi %shift_right_arithmetic3A_773, %and3A_778 : vector<256x1xi32>
    %eq3A_780 = vector.broadcast %iota3A_90 : vector<1x1024xi32> to vector<256x1024xi32>
    %eq3A_781 = vector.broadcast %and3A_779 : vector<256x1xi32> to vector<256x1024xi32>
    %eq3A_782 = arith.cmpi eq, %eq3A_780, %eq3A_781 : vector<256x1024xi32>
    %select_n3A_783 = arith.select %eq3A_782, %select_n3A_759, %select_n3A_755 : vector<256x1024xi1>, vector<256x1024xf32>
    %select_n3A_784 = arith.select %eq3A_782, %select_n3A_89, %select_n3A_756 : vector<256x1024xi1>, vector<256x1024xi32>
    %jit3A_785 = arith.constant 0x7F800000 : f32
    %broadcast_in_dim3A_786 = vector.broadcast %jit3A_785 : f32 to vector<256x1024xf32>
    %select_n3A_787 = arith.select %eq3A_782, %broadcast_in_dim3A_786, %select_n3A_759 : vector<256x1024xi1>, vector<256x1024xf32>
    %reduce_min3A_788 = arith.constant dense<0x7F800000> : vector<256xf32>
    %reduce_min3A_789 = vector.multi_reduction <minimumf>, %select_n3A_783, %reduce_min3A_788 [1] : vector<256x1024xf32> to vector<256xf32>
    %broadcast_in_dim3A_790 = vector.shape_cast %reduce_min3A_789 : vector<256xf32> to vector<256x1xf32>
    %eq3A_791 = vector.broadcast %broadcast_in_dim3A_790 : vector<256x1xf32> to vector<256x1024xf32>
    %eq3A_792 = arith.cmpf oeq, %select_n3A_783, %eq3A_791 : vector<256x1024xf32>
    %jit3A_793 = arith.constant 8192 : i32
    %broadcast_in_dim3A_794 = vector.broadcast %jit3A_793 : i32 to vector<256x1024xi32>
    %select_n3A_795 = arith.select %eq3A_792, %select_n3A_784, %broadcast_in_dim3A_794 : vector<256x1024xi1>, vector<256x1024xi32>
    %reduce_min3A_796 = arith.constant dense<2147483647> : vector<256xi32>
    %reduce_min3A_797 = vector.multi_reduction <minsi>, %select_n3A_795, %reduce_min3A_796 [1] : vector<256x1024xi32> to vector<256xi32>
    %broadcast_in_dim3A_798 = vector.shape_cast %reduce_min3A_797 : vector<256xi32> to vector<256x1xi32>
    %shift_right_arithmetic3A_799 = arith.constant 2 : i32
    %shift_right_arithmetic3A_800 = vector.broadcast %shift_right_arithmetic3A_799 : i32 to vector<256x1xi32>
    %shift_right_arithmetic3A_801 = arith.shrsi %broadcast_in_dim3A_798, %shift_right_arithmetic3A_800 : vector<256x1xi32>
    %and3A_802 = arith.constant 3 : i32
    %and3A_803 = vector.broadcast %and3A_802 : i32 to vector<256x1xi32>
    %and3A_804 = arith.andi %broadcast_in_dim3A_798, %and3A_803 : vector<256x1xi32>
    %and3A_805 = arith.constant 1023 : i32
    %and3A_806 = vector.broadcast %and3A_805 : i32 to vector<256x1xi32>
    %and3A_807 = arith.andi %shift_right_arithmetic3A_801, %and3A_806 : vector<256x1xi32>
    %eq3A_808 = vector.broadcast %iota3A_90 : vector<1x1024xi32> to vector<256x1024xi32>
    %eq3A_809 = vector.broadcast %and3A_807 : vector<256x1xi32> to vector<256x1024xi32>
    %eq3A_810 = arith.cmpi eq, %eq3A_808, %eq3A_809 : vector<256x1024xi32>
    %select_n3A_811 = arith.select %eq3A_810, %select_n3A_787, %select_n3A_783 : vector<256x1024xi1>, vector<256x1024xf32>
    %select_n3A_812 = arith.select %eq3A_810, %select_n3A_89, %select_n3A_784 : vector<256x1024xi1>, vector<256x1024xi32>
    %jit3A_813 = arith.constant 0x7F800000 : f32
    %broadcast_in_dim3A_814 = vector.broadcast %jit3A_813 : f32 to vector<256x1024xf32>
    %select_n3A_815 = arith.select %eq3A_810, %broadcast_in_dim3A_814, %select_n3A_787 : vector<256x1024xi1>, vector<256x1024xf32>
    %reduce_min3A_816 = arith.constant dense<0x7F800000> : vector<256xf32>
    %reduce_min3A_817 = vector.multi_reduction <minimumf>, %select_n3A_811, %reduce_min3A_816 [1] : vector<256x1024xf32> to vector<256xf32>
    %broadcast_in_dim3A_818 = vector.shape_cast %reduce_min3A_817 : vector<256xf32> to vector<256x1xf32>
    %eq3A_819 = vector.broadcast %broadcast_in_dim3A_818 : vector<256x1xf32> to vector<256x1024xf32>
    %eq3A_820 = arith.cmpf oeq, %select_n3A_811, %eq3A_819 : vector<256x1024xf32>
    %jit3A_821 = arith.constant 8192 : i32
    %broadcast_in_dim3A_822 = vector.broadcast %jit3A_821 : i32 to vector<256x1024xi32>
    %select_n3A_823 = arith.select %eq3A_820, %select_n3A_812, %broadcast_in_dim3A_822 : vector<256x1024xi1>, vector<256x1024xi32>
    %reduce_min3A_824 = arith.constant dense<2147483647> : vector<256xi32>
    %reduce_min3A_825 = vector.multi_reduction <minsi>, %select_n3A_823, %reduce_min3A_824 [1] : vector<256x1024xi32> to vector<256xi32>
    %broadcast_in_dim3A_826 = vector.shape_cast %reduce_min3A_825 : vector<256xi32> to vector<256x1xi32>
    %shift_right_arithmetic3A_827 = arith.constant 2 : i32
    %shift_right_arithmetic3A_828 = vector.broadcast %shift_right_arithmetic3A_827 : i32 to vector<256x1xi32>
    %shift_right_arithmetic3A_829 = arith.shrsi %broadcast_in_dim3A_826, %shift_right_arithmetic3A_828 : vector<256x1xi32>
    %and3A_830 = arith.constant 3 : i32
    %and3A_831 = vector.broadcast %and3A_830 : i32 to vector<256x1xi32>
    %and3A_832 = arith.andi %broadcast_in_dim3A_826, %and3A_831 : vector<256x1xi32>
    %and3A_833 = arith.constant 1023 : i32
    %and3A_834 = vector.broadcast %and3A_833 : i32 to vector<256x1xi32>
    %and3A_835 = arith.andi %shift_right_arithmetic3A_829, %and3A_834 : vector<256x1xi32>
    %eq3A_836 = vector.broadcast %iota3A_90 : vector<1x1024xi32> to vector<256x1024xi32>
    %eq3A_837 = vector.broadcast %and3A_835 : vector<256x1xi32> to vector<256x1024xi32>
    %eq3A_838 = arith.cmpi eq, %eq3A_836, %eq3A_837 : vector<256x1024xi32>
    %select_n3A_839 = arith.select %eq3A_838, %select_n3A_815, %select_n3A_811 : vector<256x1024xi1>, vector<256x1024xf32>
    %select_n3A_840 = arith.select %eq3A_838, %select_n3A_89, %select_n3A_812 : vector<256x1024xi1>, vector<256x1024xi32>
    %jit3A_841 = arith.constant 0x7F800000 : f32
    %broadcast_in_dim3A_842 = vector.broadcast %jit3A_841 : f32 to vector<256x1024xf32>
    %select_n3A_843 = arith.select %eq3A_838, %broadcast_in_dim3A_842, %select_n3A_815 : vector<256x1024xi1>, vector<256x1024xf32>
    %reduce_min3A_844 = arith.constant dense<0x7F800000> : vector<256xf32>
    %reduce_min3A_845 = vector.multi_reduction <minimumf>, %select_n3A_839, %reduce_min3A_844 [1] : vector<256x1024xf32> to vector<256xf32>
    %broadcast_in_dim3A_846 = vector.shape_cast %reduce_min3A_845 : vector<256xf32> to vector<256x1xf32>
    %eq3A_847 = vector.broadcast %broadcast_in_dim3A_846 : vector<256x1xf32> to vector<256x1024xf32>
    %eq3A_848 = arith.cmpf oeq, %select_n3A_839, %eq3A_847 : vector<256x1024xf32>
    %jit3A_849 = arith.constant 8192 : i32
    %broadcast_in_dim3A_850 = vector.broadcast %jit3A_849 : i32 to vector<256x1024xi32>
    %select_n3A_851 = arith.select %eq3A_848, %select_n3A_840, %broadcast_in_dim3A_850 : vector<256x1024xi1>, vector<256x1024xi32>
    %reduce_min3A_852 = arith.constant dense<2147483647> : vector<256xi32>
    %reduce_min3A_853 = vector.multi_reduction <minsi>, %select_n3A_851, %reduce_min3A_852 [1] : vector<256x1024xi32> to vector<256xi32>
    %broadcast_in_dim3A_854 = vector.shape_cast %reduce_min3A_853 : vector<256xi32> to vector<256x1xi32>
    %shift_right_arithmetic3A_855 = arith.constant 2 : i32
    %shift_right_arithmetic3A_856 = vector.broadcast %shift_right_arithmetic3A_855 : i32 to vector<256x1xi32>
    %shift_right_arithmetic3A_857 = arith.shrsi %broadcast_in_dim3A_854, %shift_right_arithmetic3A_856 : vector<256x1xi32>
    %and3A_858 = arith.constant 3 : i32
    %and3A_859 = vector.broadcast %and3A_858 : i32 to vector<256x1xi32>
    %and3A_860 = arith.andi %broadcast_in_dim3A_854, %and3A_859 : vector<256x1xi32>
    %and3A_861 = arith.constant 1023 : i32
    %and3A_862 = vector.broadcast %and3A_861 : i32 to vector<256x1xi32>
    %and3A_863 = arith.andi %shift_right_arithmetic3A_857, %and3A_862 : vector<256x1xi32>
    %eq3A_864 = vector.broadcast %iota3A_90 : vector<1x1024xi32> to vector<256x1024xi32>
    %eq3A_865 = vector.broadcast %and3A_863 : vector<256x1xi32> to vector<256x1024xi32>
    %eq3A_866 = arith.cmpi eq, %eq3A_864, %eq3A_865 : vector<256x1024xi32>
    %select_n3A_867 = arith.select %eq3A_866, %select_n3A_843, %select_n3A_839 : vector<256x1024xi1>, vector<256x1024xf32>
    %select_n3A_868 = arith.select %eq3A_866, %select_n3A_89, %select_n3A_840 : vector<256x1024xi1>, vector<256x1024xi32>
    %jit3A_869 = arith.constant 0x7F800000 : f32
    %broadcast_in_dim3A_870 = vector.broadcast %jit3A_869 : f32 to vector<256x1024xf32>
    %select_n3A_871 = arith.select %eq3A_866, %broadcast_in_dim3A_870, %select_n3A_843 : vector<256x1024xi1>, vector<256x1024xf32>
    %reduce_min3A_872 = arith.constant dense<0x7F800000> : vector<256xf32>
    %reduce_min3A_873 = vector.multi_reduction <minimumf>, %select_n3A_867, %reduce_min3A_872 [1] : vector<256x1024xf32> to vector<256xf32>
    %broadcast_in_dim3A_874 = vector.shape_cast %reduce_min3A_873 : vector<256xf32> to vector<256x1xf32>
    %eq3A_875 = vector.broadcast %broadcast_in_dim3A_874 : vector<256x1xf32> to vector<256x1024xf32>
    %eq3A_876 = arith.cmpf oeq, %select_n3A_867, %eq3A_875 : vector<256x1024xf32>
    %jit3A_877 = arith.constant 8192 : i32
    %broadcast_in_dim3A_878 = vector.broadcast %jit3A_877 : i32 to vector<256x1024xi32>
    %select_n3A_879 = arith.select %eq3A_876, %select_n3A_868, %broadcast_in_dim3A_878 : vector<256x1024xi1>, vector<256x1024xi32>
    %reduce_min3A_880 = arith.constant dense<2147483647> : vector<256xi32>
    %reduce_min3A_881 = vector.multi_reduction <minsi>, %select_n3A_879, %reduce_min3A_880 [1] : vector<256x1024xi32> to vector<256xi32>
    %broadcast_in_dim3A_882 = vector.shape_cast %reduce_min3A_881 : vector<256xi32> to vector<256x1xi32>
    %shift_right_arithmetic3A_883 = arith.constant 2 : i32
    %shift_right_arithmetic3A_884 = vector.broadcast %shift_right_arithmetic3A_883 : i32 to vector<256x1xi32>
    %shift_right_arithmetic3A_885 = arith.shrsi %broadcast_in_dim3A_882, %shift_right_arithmetic3A_884 : vector<256x1xi32>
    %and3A_886 = arith.constant 3 : i32
    %and3A_887 = vector.broadcast %and3A_886 : i32 to vector<256x1xi32>
    %and3A_888 = arith.andi %broadcast_in_dim3A_882, %and3A_887 : vector<256x1xi32>
    %and3A_889 = arith.constant 1023 : i32
    %and3A_890 = vector.broadcast %and3A_889 : i32 to vector<256x1xi32>
    %and3A_891 = arith.andi %shift_right_arithmetic3A_885, %and3A_890 : vector<256x1xi32>
    %eq3A_892 = vector.broadcast %iota3A_90 : vector<1x1024xi32> to vector<256x1024xi32>
    %eq3A_893 = vector.broadcast %and3A_891 : vector<256x1xi32> to vector<256x1024xi32>
    %eq3A_894 = arith.cmpi eq, %eq3A_892, %eq3A_893 : vector<256x1024xi32>
    %select_n3A_895 = arith.select %eq3A_894, %select_n3A_871, %select_n3A_867 : vector<256x1024xi1>, vector<256x1024xf32>
    %select_n3A_896 = arith.select %eq3A_894, %select_n3A_89, %select_n3A_868 : vector<256x1024xi1>, vector<256x1024xi32>
    %reduce_min3A_897 = arith.constant dense<0x7F800000> : vector<256xf32>
    %reduce_min3A_898 = vector.multi_reduction <minimumf>, %select_n3A_895, %reduce_min3A_897 [1] : vector<256x1024xf32> to vector<256xf32>
    %broadcast_in_dim3A_899 = vector.shape_cast %reduce_min3A_898 : vector<256xf32> to vector<256x1xf32>
    %eq3A_900 = vector.broadcast %broadcast_in_dim3A_899 : vector<256x1xf32> to vector<256x1024xf32>
    %eq3A_901 = arith.cmpf oeq, %select_n3A_895, %eq3A_900 : vector<256x1024xf32>
    %jit3A_902 = arith.constant 8192 : i32
    %broadcast_in_dim3A_903 = vector.broadcast %jit3A_902 : i32 to vector<256x1024xi32>
    %select_n3A_904 = arith.select %eq3A_901, %select_n3A_896, %broadcast_in_dim3A_903 : vector<256x1024xi1>, vector<256x1024xi32>
    %reduce_min3A_905 = arith.constant dense<2147483647> : vector<256xi32>
    %reduce_min3A_906 = vector.multi_reduction <minsi>, %select_n3A_904, %reduce_min3A_905 [1] : vector<256x1024xi32> to vector<256xi32>
    %broadcast_in_dim3A_907 = vector.shape_cast %reduce_min3A_906 : vector<256xi32> to vector<256x1xi32>
    %shift_right_arithmetic3A_908 = arith.constant 2 : i32
    %shift_right_arithmetic3A_909 = vector.broadcast %shift_right_arithmetic3A_908 : i32 to vector<256x1xi32>
    %shift_right_arithmetic3A_910 = arith.shrsi %broadcast_in_dim3A_907, %shift_right_arithmetic3A_909 : vector<256x1xi32>
    %and3A_911 = arith.constant 3 : i32
    %and3A_912 = vector.broadcast %and3A_911 : i32 to vector<256x1xi32>
    %and3A_913 = arith.andi %broadcast_in_dim3A_907, %and3A_912 : vector<256x1xi32>
    %concatenate3A = tpu.concatenate %broadcast_in_dim3A_92, %broadcast_in_dim3A_118, %broadcast_in_dim3A_146, %broadcast_in_dim3A_174, %broadcast_in_dim3A_202, %broadcast_in_dim3A_230, %broadcast_in_dim3A_258, %broadcast_in_dim3A_286, %broadcast_in_dim3A_314, %broadcast_in_dim3A_342, %broadcast_in_dim3A_370, %broadcast_in_dim3A_398, %broadcast_in_dim3A_426, %broadcast_in_dim3A_454, %broadcast_in_dim3A_482, %broadcast_in_dim3A_510, %broadcast_in_dim3A_538, %broadcast_in_dim3A_566, %broadcast_in_dim3A_594, %broadcast_in_dim3A_622, %broadcast_in_dim3A_650, %broadcast_in_dim3A_678, %broadcast_in_dim3A_706, %broadcast_in_dim3A_734, %broadcast_in_dim3A_762, %broadcast_in_dim3A_790, %broadcast_in_dim3A_818, %broadcast_in_dim3A_846, %broadcast_in_dim3A_874, %broadcast_in_dim3A_899 in 1 : vector<256x1xf32>, vector<256x1xf32>, vector<256x1xf32>, vector<256x1xf32>, vector<256x1xf32>, vector<256x1xf32>, vector<256x1xf32>, vector<256x1xf32>, vector<256x1xf32>, vector<256x1xf32>, vector<256x1xf32>, vector<256x1xf32>, vector<256x1xf32>, vector<256x1xf32>, vector<256x1xf32>, vector<256x1xf32>, vector<256x1xf32>, vector<256x1xf32>, vector<256x1xf32>, vector<256x1xf32>, vector<256x1xf32>, vector<256x1xf32>, vector<256x1xf32>, vector<256x1xf32>, vector<256x1xf32>, vector<256x1xf32>, vector<256x1xf32>, vector<256x1xf32>, vector<256x1xf32>, vector<256x1xf32> -> vector<256x30xf32>
    %swap3A = arith.constant 0 : index
    %swap3A_914 = arith.constant 0 : index
    %swap3A_915 = arith.constant 0 : index
    %swap3A_916 = vector.load %arg10[%swap3A, %swap3A_914, %swap3A_915] : memref<1x256x30xf32, #tpu.memory_space<vmem>>, vector<1x256x30xf32>
    %swap3A_917 = vector.shape_cast %swap3A_916 : vector<1x256x30xf32> to vector<256x30xf32>
    %swap3A_918 = vector.shape_cast %concatenate3A : vector<256x30xf32> to vector<1x256x30xf32>
    tpu.vector_store %arg10[%swap3A, %swap3A_914, %swap3A_915], %swap3A_918 {strides = array<i32>} : memref<1x256x30xf32, #tpu.memory_space<vmem>>, vector<1x256x30xf32>,
    %concatenate3A_919 = tpu.concatenate %shift_right_arithmetic3A_102, %shift_right_arithmetic3A_129, %shift_right_arithmetic3A_157, %shift_right_arithmetic3A_185, %shift_right_arithmetic3A_213, %shift_right_arithmetic3A_241, %shift_right_arithmetic3A_269, %shift_right_arithmetic3A_297, %shift_right_arithmetic3A_325, %shift_right_arithmetic3A_353, %shift_right_arithmetic3A_381, %shift_right_arithmetic3A_409, %shift_right_arithmetic3A_437, %shift_right_arithmetic3A_465, %shift_right_arithmetic3A_493, %shift_right_arithmetic3A_521, %shift_right_arithmetic3A_549, %shift_right_arithmetic3A_577, %shift_right_arithmetic3A_605, %shift_right_arithmetic3A_633, %shift_right_arithmetic3A_661, %shift_right_arithmetic3A_689, %shift_right_arithmetic3A_717, %shift_right_arithmetic3A_745, %shift_right_arithmetic3A_773, %shift_right_arithmetic3A_801, %shift_right_arithmetic3A_829, %shift_right_arithmetic3A_857, %shift_right_arithmetic3A_885, %shift_right_arithmetic3A_910 in 1 : vector<256x1xi32>, vector<256x1xi32>, vector<256x1xi32>, vector<256x1xi32>, vector<256x1xi32>, vector<256x1xi32>, vector<256x1xi32>, vector<256x1xi32>, vector<256x1xi32>, vector<256x1xi32>, vector<256x1xi32>, vector<256x1xi32>, vector<256x1xi32>, vector<256x1xi32>, vector<256x1xi32>, vector<256x1xi32>, vector<256x1xi32>, vector<256x1xi32>, vector<256x1xi32>, vector<256x1xi32>, vector<256x1xi32>, vector<256x1xi32>, vector<256x1xi32>, vector<256x1xi32>, vector<256x1xi32>, vector<256x1xi32>, vector<256x1xi32>, vector<256x1xi32>, vector<256x1xi32>, vector<256x1xi32> -> vector<256x30xi32>
    %swap3A_920 = arith.constant 0 : index
    %swap3A_921 = arith.constant 0 : index
    %swap3A_922 = arith.constant 0 : index
    %swap3A_923 = vector.load %arg11[%swap3A_920, %swap3A_921, %swap3A_922] : memref<1x256x30xi32, #tpu.memory_space<vmem>>, vector<1x256x30xi32>
    %swap3A_924 = vector.shape_cast %swap3A_923 : vector<1x256x30xi32> to vector<256x30xi32>
    %swap3A_925 = vector.shape_cast %concatenate3A_919 : vector<256x30xi32> to vector<1x256x30xi32>
    tpu.vector_store %arg11[%swap3A_920, %swap3A_921, %swap3A_922], %swap3A_925 {strides = array<i32>} : memref<1x256x30xi32, #tpu.memory_space<vmem>>, vector<1x256x30xi32>,
    %mul3A_926 = arith.constant 2048 : i32
    %mul3A_927 = arith.muli %arg0, %mul3A_926 : i32
    %add3A_928 = vector.broadcast %mul3A_927 : i32 to vector<256x30xi32>
    %add3A_929 = arith.addi %concatenate3A_919, %add3A_928 : vector<256x30xi32>
    %swap3A_930 = arith.constant 0 : index
    %swap3A_931 = arith.constant 0 : index
    %swap3A_932 = arith.constant 0 : index
    %swap3A_933 = vector.load %arg12[%swap3A_930, %swap3A_931, %swap3A_932] : memref<1x256x30xi32, #tpu.memory_space<vmem>>, vector<1x256x30xi32>
    %swap3A_934 = vector.shape_cast %swap3A_933 : vector<1x256x30xi32> to vector<256x30xi32>
    %swap3A_935 = vector.shape_cast %add3A_929 : vector<256x30xi32> to vector<1x256x30xi32>
    tpu.vector_store %arg12[%swap3A_930, %swap3A_931, %swap3A_932], %swap3A_935 {strides = array<i32>} : memref<1x256x30xi32, #tpu.memory_space<vmem>>, vector<1x256x30xi32>,
    %concatenate3A_936 = tpu.concatenate %and3A_104, %and3A_132, %and3A_160, %and3A_188, %and3A_216, %and3A_244, %and3A_272, %and3A_300, %and3A_328, %and3A_356, %and3A_384, %and3A_412, %and3A_440, %and3A_468, %and3A_496, %and3A_524, %and3A_552, %and3A_580, %and3A_608, %and3A_636, %and3A_664, %and3A_692, %and3A_720, %and3A_748, %and3A_776, %and3A_804, %and3A_832, %and3A_860, %and3A_888, %and3A_913 in 1 : vector<256x1xi32>, vector<256x1xi32>, vector<256x1xi32>, vector<256x1xi32>, vector<256x1xi32>, vector<256x1xi32>, vector<256x1xi32>, vector<256x1xi32>, vector<256x1xi32>, vector<256x1xi32>, vector<256x1xi32>, vector<256x1xi32>, vector<256x1xi32>, vector<256x1xi32>, vector<256x1xi32>, vector<256x1xi32>, vector<256x1xi32>, vector<256x1xi32>, vector<256x1xi32>, vector<256x1xi32>, vector<256x1xi32>, vector<256x1xi32>, vector<256x1xi32>, vector<256x1xi32>, vector<256x1xi32>, vector<256x1xi32>, vector<256x1xi32>, vector<256x1xi32>, vector<256x1xi32>, vector<256x1xi32> -> vector<256x30xi32>
    %swap3A_937 = arith.constant 0 : index
    %swap3A_938 = arith.constant 0 : index
    %swap3A_939 = arith.constant 0 : index
    %swap3A_940 = vector.load %arg13[%swap3A_937, %swap3A_938, %swap3A_939] : memref<1x256x30xi32, #tpu.memory_space<vmem>>, vector<1x256x30xi32>
    %swap3A_941 = vector.shape_cast %swap3A_940 : vector<1x256x30xi32> to vector<256x30xi32>
    %swap3A_942 = vector.shape_cast %concatenate3A_936 : vector<256x30xi32> to vector<1x256x30xi32>
    tpu.vector_store %arg13[%swap3A_937, %swap3A_938, %swap3A_939], %swap3A_942 {strides = array<i32>} : memref<1x256x30xi32, #tpu.memory_space<vmem>>, vector<1x256x30xi32>,
    return
  }
  func.func @transform_0(%arg0: i32, %arg1: i32) -> (i32, i32, i32) {
    %c0_i32 = arith.constant 0 : i32
    %c0_i32_0 = arith.constant 0 : i32
    return %arg0, %arg1, %c0_i32 : i32, i32, i32
  }
  func.func @transform_1(%arg0: i32, %arg1: i32) -> (i32, i32, i32) {
    %c0_i32 = arith.constant 0 : i32
    %c0_i32_0 = arith.constant 0 : i32
    return %arg0, %arg1, %c0_i32 : i32, i32, i32
  }
  func.func @transform_2(%arg0: i32, %arg1: i32) -> (i32, i32, i32) {
    %c0_i32 = arith.constant 0 : i32
    %c0_i32_0 = arith.constant 0 : i32
    return %arg0, %arg1, %c0_i32 : i32, i32, i32
  }
  func.func @transform_3(%arg0: i32, %arg1: i32) -> (i32, i32, i32) {
    %c0_i32 = arith.constant 0 : i32
    %c0_i32_0 = arith.constant 0 : i32
    %c0_i32_1 = arith.constant 0 : i32
    return %arg0, %c0_i32, %c0_i32_0 : i32, i32, i32
  }
  func.func @transform_4(%arg0: i32, %arg1: i32) -> (i32, i32, i32) {
    %c0_i32 = arith.constant 0 : i32
    %c0_i32_0 = arith.constant 0 : i32
    %c0_i32_1 = arith.constant 0 : i32
    return %arg0, %c0_i32, %c0_i32_0 : i32, i32, i32
  }
  func.func @transform_5(%arg0: i32, %arg1: i32) -> (i32, i32, i32) {
    %c0_i32 = arith.constant 0 : i32
    %c0_i32_0 = arith.constant 0 : i32
    %c0_i32_1 = arith.constant 0 : i32
    return %arg0, %c0_i32, %c0_i32_0 : i32, i32, i32
  }
  func.func @transform_6(%arg0: i32, %arg1: i32) -> (i32, i32, i32) {
    %c0_i32 = arith.constant 0 : i32
    %c0_i32_0 = arith.constant 0 : i32
    %c0_i32_1 = arith.constant 0 : i32
    return %arg0, %c0_i32, %c0_i32_0 : i32, i32, i32
  }
  func.func @transform_7(%arg0: i32, %arg1: i32) -> (i32, i32, i32) {
    %c0_i32 = arith.constant 0 : i32
    %c0_i32_0 = arith.constant 0 : i32
    %c0_i32_1 = arith.constant 0 : i32
    return %arg0, %c0_i32, %c0_i32_0 : i32, i32, i32
  }
  func.func @transform_8(%arg0: i32, %arg1: i32) -> (i32, i32, i32) {
    %c0_i32 = arith.constant 0 : i32
    %c0_i32_0 = arith.constant 0 : i32
    return %arg0, %arg1, %c0_i32 : i32, i32, i32
  }
  func.func @transform_9(%arg0: i32, %arg1: i32) -> (i32, i32, i32) {
    %c0_i32 = arith.constant 0 : i32
    %c0_i32_0 = arith.constant 0 : i32
    return %arg0, %arg1, %c0_i32 : i32, i32, i32
  }
  func.func @transform_10(%arg0: i32, %arg1: i32) -> (i32, i32, i32) {
    %c0_i32 = arith.constant 0 : i32
    %c0_i32_0 = arith.constant 0 : i32
    return %arg0, %arg1, %c0_i32 : i32, i32, i32
  }
  func.func @transform_11(%arg0: i32, %arg1: i32) -> (i32, i32, i32) {
    %c0_i32 = arith.constant 0 : i32
    %c0_i32_0 = arith.constant 0 : i32
    return %arg0, %arg1, %c0_i32 : i32, i32, i32
  }
}

module attributes {stable_mosaic.version = 14 : i64} {
  func.func @_edge_msg_body(%arg0: i32, %arg1: memref<1920x1xf32, #tpu.memory_space<vmem>>, %arg2: memref<1920x1xi32, #tpu.memory_space<vmem>>, %arg3: memref<1920x1xi32, #tpu.memory_space<vmem>>, %arg4: memref<1920x1xf32, #tpu.memory_space<vmem>>, %arg5: memref<64x1xf32, #tpu.memory_space<vmem>>, %arg6: memref<64x256xf32, #tpu.memory_space<vmem>>, %arg7: memref<64x256xf32, #tpu.memory_space<vmem>>, %arg8: memref<1920x128xf32, #tpu.memory_space<vmem>>, %arg9: memref<1920x128xf32, #tpu.memory_space<vmem>>, %arg10: memref<17x128xf32, #tpu.memory_space<vmem>>, %arg11: memref<1x128xf32, #tpu.memory_space<vmem>>, %arg12: memref<128x256xf32, #tpu.memory_space<vmem>>, %arg13: memref<1x16xf32, #tpu.memory_space<vmem>>, %arg14: memref<64x1920xf32, #tpu.memory_space<vmem>>, %arg15: memref<1920x64xf32, #tpu.memory_space<vmem>>, %arg16: memref<1920x128xf32, #tpu.memory_space<vmem>>, %arg17: memref<1920x1xf32, #tpu.memory_space<vmem>>, %arg18: memref<64x256xf32, #tpu.memory_space<vmem>>) attributes {dimension_semantics = [#tpu.dimension_semantics<arbitrary>], iteration_bounds = array<i64: 128>, scalar_prefetch = 0 : i64, scratch_operands = 0 : i64, tpu.core_type = #tpu.core_type<tc>, window_params = [{transform_indices = @transform_0, window_bounds = array<i64: 1920, 1>}, {transform_indices = @transform_1, window_bounds = array<i64: 1920, 1>}, {transform_indices = @transform_2, window_bounds = array<i64: 1920, 1>}, {transform_indices = @transform_3, window_bounds = array<i64: 1920, 1>}, {transform_indices = @transform_4, window_bounds = array<i64: 64, 1>}, {transform_indices = @transform_5, window_bounds = array<i64: 64, 256>}, {transform_indices = @transform_6, window_bounds = array<i64: 64, 256>}, {transform_indices = @transform_7, window_bounds = array<i64: 1920, 128>}, {transform_indices = @transform_8, window_bounds = array<i64: 1920, 128>}, {pipeline_mode = #tpu.pipeline_mode<synchronous>, transform_indices = @transform_9, window_bounds = array<i64: 17, 128>}, {pipeline_mode = #tpu.pipeline_mode<synchronous>, transform_indices = @transform_10, window_bounds = array<i64: 1, 128>}, {pipeline_mode = #tpu.pipeline_mode<synchronous>, transform_indices = @transform_11, window_bounds = array<i64: 128, 256>}, {pipeline_mode = #tpu.pipeline_mode<synchronous>, transform_indices = @transform_12, window_bounds = array<i64: 1, 16>}, {pipeline_mode = #tpu.pipeline_mode<synchronous>, transform_indices = @transform_13, window_bounds = array<i64: 64, 1920>}, {pipeline_mode = #tpu.pipeline_mode<synchronous>, transform_indices = @transform_14, window_bounds = array<i64: 1920, 64>}, {transform_indices = @transform_15, window_bounds = array<i64: 1920, 128>}, {transform_indices = @transform_16, window_bounds = array<i64: 1920, 1>}, {transform_indices = @transform_17, window_bounds = array<i64: 64, 256>}]} {
    %get3A = arith.constant 0 : index
    %get3A_0 = arith.constant 0 : index
    %get3A_1 = vector.load %arg1[%get3A, %get3A_0] : memref<1920x1xf32, #tpu.memory_space<vmem>>, vector<1920x1xf32>
    %get3A_2 = arith.constant 0 : index
    %get3A_3 = arith.constant 0 : index
    %get3A_4 = vector.load %arg13[%get3A_2, %get3A_3] : memref<1x16xf32, #tpu.memory_space<vmem>>, vector<1x16xf32>
    %sub3A = vector.broadcast %get3A_1 : vector<1920x1xf32> to vector<1920x16xf32>
    %sub3A_5 = vector.broadcast %get3A_4 : vector<1x16xf32> to vector<1920x16xf32>
    %sub3A_6 = arith.subf %sub3A, %sub3A_5 : vector<1920x16xf32>
    %mul3A = arith.mulf %sub3A_6, %sub3A_6 : vector<1920x16xf32>
    %neg3A = arith.constant 0.000000e+00 : f32
    %neg3A_7 = vector.broadcast %neg3A : f32 to vector<1920x16xf32>
    %neg3A_8 = arith.subf %neg3A_7, %mul3A : vector<1920x16xf32>
    %mul3A_9 = arith.constant 3.200000e-01 : f32
    %mul3A_10 = vector.broadcast %mul3A_9 : f32 to vector<1920x16xf32>
    %mul3A_11 = arith.mulf %neg3A_8, %mul3A_10 : vector<1920x16xf32>
    %exp3A = math.exp %mul3A_11 : vector<1920x16xf32>
    %get3A_12 = arith.constant 0 : index
    %get3A_13 = arith.constant 0 : index
    %get3A_14 = vector.load %arg2[%get3A_12, %get3A_13] : memref<1920x1xi32, #tpu.memory_space<vmem>>, vector<1920x1xi32>
    %get3A_15 = arith.constant 0 : index
    %get3A_16 = arith.constant 0 : index
    %get3A_17 = vector.load %arg3[%get3A_15, %get3A_16] : memref<1920x1xi32, #tpu.memory_space<vmem>>, vector<1920x1xi32>
    %eq3A = arith.cmpi eq, %get3A_17, %get3A_14 : vector<1920x1xi32>
    %convert_element_type3A = arith.extui %eq3A : vector<1920x1xi1> to vector<1920x1xi32>
    %convert_element_type3A_18 = arith.sitofp %convert_element_type3A : vector<1920x1xi32> to vector<1920x1xf32>
    %get3A_19 = arith.constant 0 : index
    %get3A_20 = arith.constant 0 : index
    %get3A_21 = vector.load %arg10[%get3A_19, %get3A_20] : memref<17x128xf32, #tpu.memory_space<vmem>>, vector<17x128xf32>
    %slice3A = vector.extract_strided_slice %get3A_21 {offsets = [0, 0], sizes = [16, 128], strides = [1, 1]} : vector<17x128xf32> to vector<16x128xf32>
    %dot_general3A = arith.constant dense<0.000000e+00> : vector<1920x128xf32>
    %dot_general3A_22 = tpu.matmul %exp3A, %slice3A, %dot_general3A {dimension_numbers = #tpu.dot_dimension_numbers<[1], [0], [0], [1], [0, 0, 1, 1], [], []>, transpose_lhs_hint = false} : vector<1920x16xf32>, vector<16x128xf32>, vector<1920x128xf32> -> vector<1920x128xf32>
    %slice3A_23 = vector.extract_strided_slice %get3A_21 {offsets = [16, 0], sizes = [1, 128], strides = [1, 1]} : vector<17x128xf32> to vector<1x128xf32>
    %mul3A_24 = vector.broadcast %convert_element_type3A_18 : vector<1920x1xf32> to vector<1920x128xf32>
    %mul3A_25 = vector.broadcast %slice3A_23 : vector<1x128xf32> to vector<1920x128xf32>
    %mul3A_26 = arith.mulf %mul3A_24, %mul3A_25 : vector<1920x128xf32>
    %add3A = arith.addf %dot_general3A_22, %mul3A_26 : vector<1920x128xf32>
    %get3A_27 = arith.constant 0 : index
    %get3A_28 = arith.constant 0 : index
    %get3A_29 = vector.load %arg11[%get3A_27, %get3A_28] : memref<1x128xf32, #tpu.memory_space<vmem>>, vector<1x128xf32>
    %add3A_30 = vector.broadcast %get3A_29 : vector<1x128xf32> to vector<1920x128xf32>
    %add3A_31 = arith.addf %add3A, %add3A_30 : vector<1920x128xf32>
    %get3A_32 = arith.constant 0 : index
    %get3A_33 = arith.constant 0 : index
    %get3A_34 = vector.load %arg4[%get3A_32, %get3A_33] : memref<1920x1xf32, #tpu.memory_space<vmem>>, vector<1920x1xf32>
    %gt3A = arith.constant 0 : i32
    %gt3A_35 = vector.broadcast %gt3A : i32 to vector<1920x1xi32>
    %gt3A_36 = arith.cmpi sgt, %get3A_14, %gt3A_35 : vector<1920x1xi32>
    %convert_element_type3A_37 = arith.extui %gt3A_36 : vector<1920x1xi1> to vector<1920x1xi32>
    %convert_element_type3A_38 = arith.sitofp %convert_element_type3A_37 : vector<1920x1xi32> to vector<1920x1xf32>
    %mul3A_39 = arith.mulf %get3A_34, %convert_element_type3A_38 : vector<1920x1xf32>
    %max3A = arith.constant 0.000000e+00 : f32
    %max3A_40 = vector.broadcast %max3A : f32 to vector<1920x128xf32>
    %max3A_41 = arith.maximumf %add3A_31, %max3A_40 : vector<1920x128xf32>
    %abs3A = math.absf %add3A_31 : vector<1920x128xf32>
    %neg3A_42 = arith.constant 0.000000e+00 : f32
    %neg3A_43 = vector.broadcast %neg3A_42 : f32 to vector<1920x128xf32>
    %neg3A_44 = arith.subf %neg3A_43, %abs3A : vector<1920x128xf32>
    %exp3A_45 = math.exp %neg3A_44 : vector<1920x128xf32>
    %add3A_46 = arith.constant 1.000000e+00 : f32
    %add3A_47 = vector.broadcast %add3A_46 : f32 to vector<1920x128xf32>
    %add3A_48 = arith.addf %add3A_47, %exp3A_45 : vector<1920x128xf32>
    %log3A = math.log %add3A_48 : vector<1920x128xf32>
    %add3A_49 = arith.addf %max3A_41, %log3A : vector<1920x128xf32>
    %mul3A_50 = vector.broadcast %mul3A_39 : vector<1920x1xf32> to vector<1920x128xf32>
    %mul3A_51 = arith.mulf %add3A_49, %mul3A_50 : vector<1920x128xf32>
    %swap3A = arith.constant 0 : index
    %swap3A_52 = arith.constant 0 : index
    %swap3A_53 = vector.load %arg16[%swap3A, %swap3A_52] : memref<1920x128xf32, #tpu.memory_space<vmem>>, vector<1920x128xf32>
    tpu.vector_store %arg16[%swap3A, %swap3A_52], %mul3A_51 {strides = array<i32>} : memref<1920x128xf32, #tpu.memory_space<vmem>>, vector<1920x128xf32>,
    %swap3A_54 = arith.constant 0 : index
    %swap3A_55 = arith.constant 0 : index
    %swap3A_56 = vector.load %arg17[%swap3A_54, %swap3A_55] : memref<1920x1xf32, #tpu.memory_space<vmem>>, vector<1920x1xf32>
    tpu.vector_store %arg17[%swap3A_54, %swap3A_55], %mul3A_39 {strides = array<i32>} : memref<1920x1xf32, #tpu.memory_space<vmem>>, vector<1920x1xf32>,
    %get3A_57 = arith.constant 0 : index
    %get3A_58 = arith.constant 0 : index
    %get3A_59 = vector.load %arg14[%get3A_57, %get3A_58] : memref<64x1920xf32, #tpu.memory_space<vmem>>, vector<64x1920xf32>
    %get3A_60 = arith.constant 0 : index
    %get3A_61 = arith.constant 0 : index
    %get3A_62 = vector.load %arg15[%get3A_60, %get3A_61] : memref<1920x64xf32, #tpu.memory_space<vmem>>, vector<1920x64xf32>
    %get3A_63 = arith.constant 0 : index
    %get3A_64 = arith.constant 0 : index
    %get3A_65 = vector.load %arg12[%get3A_63, %get3A_64] : memref<128x256xf32, #tpu.memory_space<vmem>>, vector<128x256xf32>
    %dot_general3A_66 = arith.constant dense<0.000000e+00> : vector<64x1xf32>
    %dot_general3A_67 = tpu.matmul %get3A_59, %mul3A_39, %dot_general3A_66 {dimension_numbers = #tpu.dot_dimension_numbers<[1], [0], [0], [1], [0, 0, 1, 1], [], []>, transpose_lhs_hint = false} : vector<64x1920xf32>, vector<1920x1xf32>, vector<64x1xf32> -> vector<64x1xf32>
    %add3A_68 = arith.constant 9.99999997E-7 : f32
    %add3A_69 = vector.broadcast %add3A_68 : f32 to vector<64x1xf32>
    %add3A_70 = arith.addf %dot_general3A_67, %add3A_69 : vector<64x1xf32>
    %get3A_71 = arith.constant 0 : index
    %get3A_72 = arith.constant 0 : index
    %get3A_73 = vector.load %arg5[%get3A_71, %get3A_72] : memref<64x1xf32, #tpu.memory_space<vmem>>, vector<64x1xf32>
    %slice3A_74 = vector.extract_strided_slice %get3A_65 {offsets = [0, 0], sizes = [128, 128], strides = [1, 1]} : vector<128x256xf32> to vector<128x128xf32>
    %dot_general3A_75 = arith.constant dense<0.000000e+00> : vector<1920x128xf32>
    %dot_general3A_76 = tpu.matmul %mul3A_51, %slice3A_74, %dot_general3A_75 {dimension_numbers = #tpu.dot_dimension_numbers<[1], [0], [0], [1], [0, 0, 1, 1], [], []>, transpose_lhs_hint = false} : vector<1920x128xf32>, vector<128x128xf32>, vector<1920x128xf32> -> vector<1920x128xf32>
    %get3A_77 = arith.constant 0 : index
    %get3A_78 = arith.constant 0 : index
    %get3A_79 = vector.load %arg7[%get3A_77, %get3A_78] : memref<64x256xf32, #tpu.memory_space<vmem>>, vector<64x128xf32>
    %dot_general3A_80 = arith.constant dense<0.000000e+00> : vector<1920x128xf32>
    %dot_general3A_81 = tpu.matmul %get3A_62, %get3A_79, %dot_general3A_80 {dimension_numbers = #tpu.dot_dimension_numbers<[1], [0], [0], [1], [0, 0, 1, 1], [], []>, transpose_lhs_hint = false} : vector<1920x64xf32>, vector<64x128xf32>, vector<1920x128xf32> -> vector<1920x128xf32>
    %get3A_82 = arith.constant 0 : index
    %get3A_83 = arith.constant 0 : index
    %get3A_84 = vector.load %arg8[%get3A_82, %get3A_83] : memref<1920x128xf32, #tpu.memory_space<vmem>>, vector<1920x128xf32>
    %add3A_85 = arith.addf %dot_general3A_81, %get3A_84 : vector<1920x128xf32>
    %add3A_86 = arith.addf %add3A_85, %dot_general3A_76 : vector<1920x128xf32>
    %max3A_87 = arith.constant 0.000000e+00 : f32
    %max3A_88 = vector.broadcast %max3A_87 : f32 to vector<1920x128xf32>
    %max3A_89 = arith.maximumf %add3A_86, %max3A_88 : vector<1920x128xf32>
    %abs3A_90 = math.absf %add3A_86 : vector<1920x128xf32>
    %neg3A_91 = arith.constant 0.000000e+00 : f32
    %neg3A_92 = vector.broadcast %neg3A_91 : f32 to vector<1920x128xf32>
    %neg3A_93 = arith.subf %neg3A_92, %abs3A_90 : vector<1920x128xf32>
    %exp3A_94 = math.exp %neg3A_93 : vector<1920x128xf32>
    %add3A_95 = arith.constant 1.000000e+00 : f32
    %add3A_96 = vector.broadcast %add3A_95 : f32 to vector<1920x128xf32>
    %add3A_97 = arith.addf %add3A_96, %exp3A_94 : vector<1920x128xf32>
    %log3A_98 = math.log %add3A_97 : vector<1920x128xf32>
    %add3A_99 = arith.addf %max3A_89, %log3A_98 : vector<1920x128xf32>
    %mul3A_100 = vector.broadcast %mul3A_39 : vector<1920x1xf32> to vector<1920x128xf32>
    %mul3A_101 = arith.mulf %add3A_99, %mul3A_100 : vector<1920x128xf32>
    %dot_general3A_102 = arith.constant dense<0.000000e+00> : vector<64x128xf32>
    %dot_general3A_103 = tpu.matmul %get3A_59, %mul3A_101, %dot_general3A_102 {dimension_numbers = #tpu.dot_dimension_numbers<[1], [0], [0], [1], [0, 0, 1, 1], [], []>, transpose_lhs_hint = false} : vector<64x1920xf32>, vector<1920x128xf32>, vector<64x128xf32> -> vector<64x128xf32>
    %get3A_104 = arith.constant 0 : index
    %get3A_105 = arith.constant 0 : index
    %get3A_106 = vector.load %arg6[%get3A_104, %get3A_105] : memref<64x256xf32, #tpu.memory_space<vmem>>, vector<64x128xf32>
    %div3A = vector.broadcast %add3A_70 : vector<64x1xf32> to vector<64x128xf32>
    %div3A_107 = arith.divf %dot_general3A_103, %div3A : vector<64x128xf32>
    %add3A_108 = arith.addf %get3A_106, %div3A_107 : vector<64x128xf32>
    %mul3A_109 = vector.broadcast %get3A_73 : vector<64x1xf32> to vector<64x128xf32>
    %mul3A_110 = arith.mulf %add3A_108, %mul3A_109 : vector<64x128xf32>
    %swap3A_111 = arith.constant 0 : index
    %swap3A_112 = arith.constant 0 : index
    %swap3A_113 = vector.load %arg18[%swap3A_111, %swap3A_112] : memref<64x256xf32, #tpu.memory_space<vmem>>, vector<64x128xf32>
    tpu.vector_store %arg18[%swap3A_111, %swap3A_112], %mul3A_110 {strides = array<i32>} : memref<64x256xf32, #tpu.memory_space<vmem>>, vector<64x128xf32>,
    %slice3A_114 = vector.extract_strided_slice %get3A_65 {offsets = [0, 128], sizes = [128, 128], strides = [1, 1]} : vector<128x256xf32> to vector<128x128xf32>
    %dot_general3A_115 = arith.constant dense<0.000000e+00> : vector<1920x128xf32>
    %dot_general3A_116 = tpu.matmul %mul3A_51, %slice3A_114, %dot_general3A_115 {dimension_numbers = #tpu.dot_dimension_numbers<[1], [0], [0], [1], [0, 0, 1, 1], [], []>, transpose_lhs_hint = false} : vector<1920x128xf32>, vector<128x128xf32>, vector<1920x128xf32> -> vector<1920x128xf32>
    %get3A_117 = arith.constant 0 : index
    %get3A_118 = arith.constant 128 : index
    %get3A_119 = vector.load %arg7[%get3A_117, %get3A_118] : memref<64x256xf32, #tpu.memory_space<vmem>>, vector<64x128xf32>
    %dot_general3A_120 = arith.constant dense<0.000000e+00> : vector<1920x128xf32>
    %dot_general3A_121 = tpu.matmul %get3A_62, %get3A_119, %dot_general3A_120 {dimension_numbers = #tpu.dot_dimension_numbers<[1], [0], [0], [1], [0, 0, 1, 1], [], []>, transpose_lhs_hint = false} : vector<1920x64xf32>, vector<64x128xf32>, vector<1920x128xf32> -> vector<1920x128xf32>
    %get3A_122 = arith.constant 0 : index
    %get3A_123 = arith.constant 0 : index
    %get3A_124 = vector.load %arg9[%get3A_122, %get3A_123] : memref<1920x128xf32, #tpu.memory_space<vmem>>, vector<1920x128xf32>
    %add3A_125 = arith.addf %dot_general3A_121, %get3A_124 : vector<1920x128xf32>
    %add3A_126 = arith.addf %add3A_125, %dot_general3A_116 : vector<1920x128xf32>
    %max3A_127 = arith.constant 0.000000e+00 : f32
    %max3A_128 = vector.broadcast %max3A_127 : f32 to vector<1920x128xf32>
    %max3A_129 = arith.maximumf %add3A_126, %max3A_128 : vector<1920x128xf32>
    %abs3A_130 = math.absf %add3A_126 : vector<1920x128xf32>
    %neg3A_131 = arith.constant 0.000000e+00 : f32
    %neg3A_132 = vector.broadcast %neg3A_131 : f32 to vector<1920x128xf32>
    %neg3A_133 = arith.subf %neg3A_132, %abs3A_130 : vector<1920x128xf32>
    %exp3A_134 = math.exp %neg3A_133 : vector<1920x128xf32>
    %add3A_135 = arith.constant 1.000000e+00 : f32
    %add3A_136 = vector.broadcast %add3A_135 : f32 to vector<1920x128xf32>
    %add3A_137 = arith.addf %add3A_136, %exp3A_134 : vector<1920x128xf32>
    %log3A_138 = math.log %add3A_137 : vector<1920x128xf32>
    %add3A_139 = arith.addf %max3A_129, %log3A_138 : vector<1920x128xf32>
    %mul3A_140 = vector.broadcast %mul3A_39 : vector<1920x1xf32> to vector<1920x128xf32>
    %mul3A_141 = arith.mulf %add3A_139, %mul3A_140 : vector<1920x128xf32>
    %dot_general3A_142 = arith.constant dense<0.000000e+00> : vector<64x128xf32>
    %dot_general3A_143 = tpu.matmul %get3A_59, %mul3A_141, %dot_general3A_142 {dimension_numbers = #tpu.dot_dimension_numbers<[1], [0], [0], [1], [0, 0, 1, 1], [], []>, transpose_lhs_hint = false} : vector<64x1920xf32>, vector<1920x128xf32>, vector<64x128xf32> -> vector<64x128xf32>
    %get3A_144 = arith.constant 0 : index
    %get3A_145 = arith.constant 128 : index
    %get3A_146 = vector.load %arg6[%get3A_144, %get3A_145] : memref<64x256xf32, #tpu.memory_space<vmem>>, vector<64x128xf32>
    %div3A_147 = vector.broadcast %add3A_70 : vector<64x1xf32> to vector<64x128xf32>
    %div3A_148 = arith.divf %dot_general3A_143, %div3A_147 : vector<64x128xf32>
    %add3A_149 = arith.addf %get3A_146, %div3A_148 : vector<64x128xf32>
    %mul3A_150 = vector.broadcast %get3A_73 : vector<64x1xf32> to vector<64x128xf32>
    %mul3A_151 = arith.mulf %add3A_149, %mul3A_150 : vector<64x128xf32>
    %swap3A_152 = arith.constant 0 : index
    %swap3A_153 = arith.constant 128 : index
    %swap3A_154 = vector.load %arg18[%swap3A_152, %swap3A_153] : memref<64x256xf32, #tpu.memory_space<vmem>>, vector<64x128xf32>
    tpu.vector_store %arg18[%swap3A_152, %swap3A_153], %mul3A_151 {strides = array<i32>} : memref<64x256xf32, #tpu.memory_space<vmem>>, vector<64x128xf32>,
    return
  }
  func.func @transform_0(%arg0: i32) -> (i32, i32) {
    %c0_i32 = arith.constant 0 : i32
    %c0_i32_0 = arith.constant 0 : i32
    return %arg0, %c0_i32 : i32, i32
  }
  func.func @transform_1(%arg0: i32) -> (i32, i32) {
    %c0_i32 = arith.constant 0 : i32
    %c0_i32_0 = arith.constant 0 : i32
    return %arg0, %c0_i32 : i32, i32
  }
  func.func @transform_2(%arg0: i32) -> (i32, i32) {
    %c0_i32 = arith.constant 0 : i32
    %c0_i32_0 = arith.constant 0 : i32
    return %arg0, %c0_i32 : i32, i32
  }
  func.func @transform_3(%arg0: i32) -> (i32, i32) {
    %c0_i32 = arith.constant 0 : i32
    %c0_i32_0 = arith.constant 0 : i32
    return %arg0, %c0_i32 : i32, i32
  }
  func.func @transform_4(%arg0: i32) -> (i32, i32) {
    %c0_i32 = arith.constant 0 : i32
    %c0_i32_0 = arith.constant 0 : i32
    return %arg0, %c0_i32 : i32, i32
  }
  func.func @transform_5(%arg0: i32) -> (i32, i32) {
    %c0_i32 = arith.constant 0 : i32
    %c0_i32_0 = arith.constant 0 : i32
    return %arg0, %c0_i32 : i32, i32
  }
  func.func @transform_6(%arg0: i32) -> (i32, i32) {
    %c0_i32 = arith.constant 0 : i32
    %c0_i32_0 = arith.constant 0 : i32
    return %arg0, %c0_i32 : i32, i32
  }
  func.func @transform_7(%arg0: i32) -> (i32, i32) {
    %c0_i32 = arith.constant 0 : i32
    %c0_i32_0 = arith.constant 0 : i32
    return %arg0, %c0_i32 : i32, i32
  }
  func.func @transform_8(%arg0: i32) -> (i32, i32) {
    %c0_i32 = arith.constant 0 : i32
    %c0_i32_0 = arith.constant 0 : i32
    return %arg0, %c0_i32 : i32, i32
  }
  func.func @transform_9(%arg0: i32) -> (i32, i32) {
    %c0_i32 = arith.constant 0 : i32
    %c0_i32_0 = arith.constant 0 : i32
    %c0_i32_1 = arith.constant 0 : i32
    return %c0_i32, %c0_i32_0 : i32, i32
  }
  func.func @transform_10(%arg0: i32) -> (i32, i32) {
    %c0_i32 = arith.constant 0 : i32
    %c0_i32_0 = arith.constant 0 : i32
    %c0_i32_1 = arith.constant 0 : i32
    return %c0_i32, %c0_i32_0 : i32, i32
  }
  func.func @transform_11(%arg0: i32) -> (i32, i32) {
    %c0_i32 = arith.constant 0 : i32
    %c0_i32_0 = arith.constant 0 : i32
    %c0_i32_1 = arith.constant 0 : i32
    return %c0_i32, %c0_i32_0 : i32, i32
  }
  func.func @transform_12(%arg0: i32) -> (i32, i32) {
    %c0_i32 = arith.constant 0 : i32
    %c0_i32_0 = arith.constant 0 : i32
    %c0_i32_1 = arith.constant 0 : i32
    return %c0_i32, %c0_i32_0 : i32, i32
  }
  func.func @transform_13(%arg0: i32) -> (i32, i32) {
    %c0_i32 = arith.constant 0 : i32
    %c0_i32_0 = arith.constant 0 : i32
    %c0_i32_1 = arith.constant 0 : i32
    return %c0_i32, %c0_i32_0 : i32, i32
  }
  func.func @transform_14(%arg0: i32) -> (i32, i32) {
    %c0_i32 = arith.constant 0 : i32
    %c0_i32_0 = arith.constant 0 : i32
    %c0_i32_1 = arith.constant 0 : i32
    return %c0_i32, %c0_i32_0 : i32, i32
  }
  func.func @transform_15(%arg0: i32) -> (i32, i32) {
    %c0_i32 = arith.constant 0 : i32
    %c0_i32_0 = arith.constant 0 : i32
    return %arg0, %c0_i32 : i32, i32
  }
  func.func @transform_16(%arg0: i32) -> (i32, i32) {
    %c0_i32 = arith.constant 0 : i32
    %c0_i32_0 = arith.constant 0 : i32
    return %arg0, %c0_i32 : i32, i32
  }
  func.func @transform_17(%arg0: i32) -> (i32, i32) {
    %c0_i32 = arith.constant 0 : i32
    %c0_i32_0 = arith.constant 0 : i32
    return %arg0, %c0_i32 : i32, i32
  }
}

</mosaic_0001>

<sc_bundles>
// kernel: kernel.6.cloned.1.call-start
scs
__scs_entry_jumppad:
0x0: {  	(pc) =	sbr.rel $0x88, $3  }
0x1: {  	(tag) =	ssettag $0x0;
	lr =	simm.s32 $0x1  }
0x2: {  	[smem:$0x3F99] =	sst lr;
	_ =	strace $0xD0000000  }
0x3: {  	_ = 	snop  }
0x4: {  	_ = 	snop  }
0x5: {  	_ = 	snop  }
0x6: {  	_ = 	snop  }
0x7: {  	_ = 	snop  }
__scs_overlays_trampoline_lowered:
0x8: {  	[smem:$0x3FA8] =	sst s0  }
0x9: {  	[smem:$0x3FA9] =	sst s1  }
0xa: {  	[smem:$0x3FAA] =	sst s2  }
0xb: {  	[smem:$0x3FAB] =	sst s3  }
0xc: {  	[smem:$0x3FAC] =	sst s4  }
0xd: {  	[smem:$0x3FAD] =	sst s5  }
0xe: {  	[smem:$0x3FAE] =	sst s6  }
0xf: {  	[smem:$0x3FAF] =	sst s7  }
0x10: {  	[smem:$0x3FB0] =	sst s8  }
0x11: {  	[smem:$0x3FB1] =	sst s9;
	s0 =	simm.s32 @!p0 $0x0  }
0x12: {  	s1 =	sld [smem:$0x3F97];
	s0 =	simm.s32 @p0 $0x1  }
0x13: {  	[smem:$0x3FB2] =	sst s0;
	s0 =	simm.s32 @!p1 $0x0  }
0x14: {  	s2 =	sld [smem:$0x3F96];
	s0 =	simm.s32 @p1 $0x1  }
0x15: {  	[smem:$0x3FB3] =	sst s0;
	s0 =	simm.s32 @!p2 $0x0  }
0x16: {  	s3 =	sld [smem:$0x3FDB];
	s0 =	simm.s32 @p2 $0x1  }
0x17: {  	s4 =	simm.s32 $0x1BF5;
	[smem:$0x3FB5] =	sst s0  }
0x18: {  	s0 =	sld [smem:$0x3F98];
	_ =	swait.ge [sflag:s4], $0x0  }
0x19: {  	s7 =	sld [smem:$0x3F99]  }
0x1a: {  	s8 =	sadd.s32 $0xFFFFE003, lr  }
0x1b: {  	s9 =	sadd.s32 $0xFFFFFEF7, lr;
	s5 =	simm.s32 $0xFFFFFFFF;
	p2 =	slt.u32 s8, $0xFFFFF086  }
0x1c: {  	p1 =	slt.u32 s9, $0xF7A;
	s5 =	simm.s32 @!p2 $0x0  }
0x1d: {  	s5 =	simm.s32 @p1 $0x1;
	p0 =	seq.s32 s7, s2  }
0x1e: {  	s7 =	smul.u32 @!p0 $0xF7A, s2;
	p2 =	seq.s32 @!p0 s5, $0x0  }
0x1f: {  	s9 =	smul.u32 $0xF7A, s1;
	s8 =	simm.s32 @!p0 $0x1BF5;
	p2 =	por !p2, p0  }
0x20: {  	[sflag:s8] =	ssyncset.s32 @!p0 $0xFFFFF086;
	s6 =	sadd.s32 @!p0 s3, s7;
	s7 =	simm.s32 @!p0 $0x108  }
0x21: {  	s3 =	sadd.s32 s3, s9;
	s6 =	sadd.s32 @!p0 $0x88, s6;
	s7 =	simm.s32 @p2 $0x1082  }
0x22: {  	[simem:s7], [sflag:s8] =	dma.local @!p0 [hbm:s6], $0xF7A  }
0x23: {  	s9 =	sor.u32 $0xD0000000, s2;
	s6 =	simm.s32 $0x108;
	_ =	swait.ge @!p0 [sflag:s8], $0x0  }
0x24: {  	s3 =	sadd.s32 $0x88, s3;
	s6 =	simm.s32 @!p1 $0x1082;
	[sflag:s4] =	ssyncset.s32 $0xFFFFF086  }
0x25: {  	[simem:s6], [sflag:s4] =	dma.local [hbm:s3], $0xF7A  }
0x26: {  	[smem:$0x3F99] =	sst s1;
	(tag) =	ssettag s2;
	_ =	strace s9  }
0x27: {  	s1 =	sld [smem:$0x3FA9]  }
0x28: {  	s2 =	sld [smem:$0x3FAA]  }
0x29: {  	s4 =	sld [smem:$0x3FAC]  }
0x2a: {  	p0 =	seq.s32 s5, $0x0;
	s5 =	sld [smem:$0x3FAD]  }
0x2b: {  	s6 =	sld [smem:$0x3FAE]  }
0x2c: {  	s7 =	sld [smem:$0x3FAF]  }
0x2d: {  	s3 =	simm.s32 $0x108;
	s8 =	sld [smem:$0x3FB0]  }
0x2e: {  	s3 =	simm.s32 @!p0 $0x1082;
	s9 =	sld [smem:$0x3FB1]  }
0x2f: {  	lr =	sadd.s32 s0, s3;
	s0 =	sld [smem:$0x3FA8]  }
0x30: {  	s3 =	sld [smem:$0x3FAB]  }
0x31: {  	[smem:$0x3FB4] =	sst s10  }
0x32: {  	s10 =	sld [smem:$0x3FB2];
	_ =	sdelay $0x3  }
0x33: {  	p0 =	seq.s32 s10, $0x1;
	s10 =	sld [smem:$0x3FB4];
	_ =	sdelay $0x3  }
0x34: {  	[smem:$0x3FB4] =	sst s10  }
0x35: {  	s10 =	sld [smem:$0x3FB3];
	_ =	sdelay $0x3  }
0x36: {  	p1 =	seq.s32 s10, $0x1;
	s10 =	sld [smem:$0x3FB4];
	_ =	sdelay $0x3  }
0x37: {  	[smem:$0x3FB4] =	sst s10  }
0x38: {  	s10 =	sld [smem:$0x3FB5]  }
0x39: {  	_ = 	snop;
	(pc) =	sbr.ind lr, $3  }
0x3a: {  	_ = 	snop  }
0x3b: {  	_ = 	snop  }
0x3c: {  	p2 =	seq.s32 s10, $0x1;
	s10 =	sld [smem:$0x3FB4]  }
0x3d: {  	_ =	shalt  }
0x3e: {  	_ =	shalt  }
0x3f: {  	_ =	shalt  }
0x40: {  	_ =	shalt  }
0x41: {  	_ =	shalt  }
0x42: {  	_ =	shalt  }
0x43: {  	_ =	shalt  }
0x44: {  	_ =	shalt  }
0x45: {  	_ =	shalt  }
0x46: {  	_ =	shalt  }
0x47: {  	_ =	shalt  }
0x48: {  	_ =	shalt  }
0x49: {  	_ =	shalt  }
0x4a: {  	_ =	shalt  }
0x4b: {  	_ =	shalt  }
0x4c: {  	_ =	shalt  }
0x4d: {  	_ =	shalt  }
0x4e: {  	_ =	shalt  }
0x4f: {  	_ =	shalt  }
0x50: {  	_ =	shalt  }
0x51: {  	_ =	shalt  }
0x52: {  	_ =	shalt  }
0x53: {  	_ =	shalt  }
0x54: {  	_ =	shalt  }
0x55: {  	_ =	shalt  }
0x56: {  	_ =	shalt  }
0x57: {  	_ =	shalt  }
0x58: {  	_ =	shalt  }
0x59: {  	_ =	shalt  }
0x5a: {  	_ =	shalt  }
0x5b: {  	_ =	shalt  }
0x5c: {  	_ =	shalt  }
0x5d: {  	_ =	shalt  }
0x5e: {  	_ =	shalt  }
0x5f: {  	_ =	shalt  }
0x60: {  	_ =	shalt  }
0x61: {  	_ =	shalt  }
0x62: {  	_ =	shalt  }
0x63: {  	_ =	shalt  }
0x64: {  	_ =	shalt  }
0x65: {  	_ =	shalt  }
0x66: {  	_ =	shalt  }
0x67: {  	_ =	shalt  }
0x68: {  	_ =	shalt  }
0x69: {  	_ =	shalt  }
0x6a: {  	_ =	shalt  }
0x6b: {  	_ =	shalt  }
0x6c: {  	_ =	shalt  }
0x6d: {  	_ =	shalt  }
0x6e: {  	_ =	shalt  }
0x6f: {  	_ =	shalt  }
0x70: {  	_ =	shalt  }
0x71: {  	_ =	shalt  }
0x72: {  	_ =	shalt  }
0x73: {  	_ =	shalt  }
0x74: {  	_ =	shalt  }
0x75: {  	_ =	shalt  }
0x76: {  	_ =	shalt  }
0x77: {  	_ =	shalt  }
0x78: {  	_ =	shalt  }
0x79: {  	_ =	shalt  }
0x7a: {  	_ =	shalt  }
0x7b: {  	_ =	shalt  }
0x7c: {  	_ =	shalt  }
0x7d: {  	_ =	shalt  }
0x7e: {  	_ =	shalt  }
0x7f: {  	_ =	shalt  }
0x80: {  	_ =	shalt  }
0x81: {  	_ =	shalt  }
0x82: {  	_ =	shalt  }
0x83: {  	_ =	shalt  }
0x84: {  	_ =	shalt  }
0x85: {  	_ =	shalt  }
0x86: {  	_ =	shalt  }
0x87: {  	_ =	shalt  }
.Lfunc_end0:
.L_simem_size_0:
called_computation.1_lowered:
.L_overlay_start_0:
0x88: {  	s2 =	sld [smem:$0x3FD9]  }
0x89: {  	s3 =	sld [smem:$0x3FFE];
	_ =	sdelay $0x1  }
0x8a: {  	s1 =	srdreg.scid  }
0x8b: {  	s0 =	sand.u32 $0x1, s1  }
0x8c: {  	s14 =	sshll.u32 s0, $0xA;
	s2 =	sadd.s32 s3, s2  }
0x8d: {  	s2 =	sadd.s32 s2, s14  }
0x8e: {  	[smem:$0x3FC0] =	sst s2  }
0x8f: {  	_ = 	snop  }
0x90: {  	s2 =	sld [smem:$0x3FD0];
	_ =	sdelay $0x2  }
0x91: {  	s15 =	simm.s32 $0xA;
	s4 =	simm.s32 $0x10  }
0x92: {  	[smem:s4], [sflag:s15] =	dma.local [hbm:s2], $0x1  }
0x93: {  	_ =	swait.eq [sflag:s15], $0x1  }
0x94: {  	[sflag:s15] =	ssyncset.done $0x0  }
0x95: {  	[sflag:s15] =	ssyncadd.s32 $0xFFFFFFFF  }
0x96: {  	s16 =	sld [smem:$0x14];
	(tm) =	ssettm $0x1  }
0x97: {  	s17 =	sld [smem:$0x3FFB];
	_ =	sdelay $0x3  }
0x98: {  	_ =	strace s17  }
0x99: {  	s3 =	sld [smem:$0x3FFC];
	_ =	sdelay $0x3  }
0x9a: {  	_ =	strace s3  }
0x9b: {  	s3 =	sld [smem:$0x3FFD];
	_ =	sdelay $0x3  }
0x9c: {  	_ =	strace s3  }
0x9d: {  	_ =	strace $0x8FFFFFFF  }
0x9e: {  	s18 =	sld [smem:$0x3FDB];
	_ =	sdelay $0x1  }
0x9f: {  	s19 =	simm.s32 $_scs_section_size  }
0xa0: {  	s5 =	simm.s32 $_size__tile_overlayer_lowered;
	s6 =	simm.s32 $_tile_overlayer_lowered  }
0xa1: {  	s22 =	simm.s32 $0x1BFF;
	s21 =	sshll.u32 s6, $0x1;
	s3 =	sadd.s32 s19, s18  }
0xa2: {  	s7 =	simm.s32 $0x0;
	s20 =	sshll.u32 s5, $0x1;
	s5 =	sadd.s32 s21, s3  }
0xa3: {  	[timem:s7], [sflag:s22] =	dma.local [hbm:s5], s20  }
0xa4: {  	_ =	swait.ge [sflag:s22], s20  }
0xa5: {  	s4 =	ssub.s32 $0x0, s20;
	[sflag:s22] =	ssyncset.done $0x0  }
0xa6: {  	[sflag:s22] =	ssyncadd.s32 s4;
	_ =	sdelay $0x1  }
0xa7: {  	s23 =	simm.s32 $0x1B8B  }
0xa8: {  	_ =	swait.ge [sflag:s23], $0x1  }
0xa9: {  	[sflag:s23] =	ssyncset.done $0x0  }
0xaa: {  	s25 =	simm.s32 $0x1B8E;
	s24 =	sld [smem:$0x3FFE];
	[sflag:s23] =	ssyncadd.s32 $0xFFFFFFFF  }
0xab: {  	s26 =	simm.s32 $execute0_lowered;
	[smem:$0x3FD2] =	sst s25  }
0xac: {  	s5 =	sshll.u32 s26, $0x1;
	_ =	strace $0x80000046;
	[dreg:$0x1] =	wrdreg $0xFFFFFFFF  }
0xad: {  	s28 =	simm.s32 $_size_execute0_lowered;
	s3 =	sadd.s32 s3, s5;
	[dreg:$0x0] =	wrdreg $0x0  }
0xae: {  	s5 =	sshll.u32 s28, $0x1;
	[dreg:$0x2] =	wrdreg s3  }
0xaf: {  	[dreg:$0x3] =	wrdreg s5  }
0xb0: {  	[dreg:$0x4] =	wrdreg $0xC0  }
0xb1: {  	_ =	task [dreg:s7], $0x5FFFF  }
0xb2: {  	[dreg:$0x1] =	wrdreg $0xFFFFFFFF  }
0xb3: {  	[dreg:$0x0] =	wrdreg $0x60  }
0xb4: {  	[dreg:$0x2] =	wrdreg s24  }
0xb5: {  	[dreg:$0x3] =	wrdreg s16  }
0xb6: {  	[dreg:$0x4] =	wrdreg $0x9  }
0xb7: {  	_ =	task.clear_ibuf [dreg:s7], $0x5FFFF;
	_ =	strace $0x90000046  }
0xb8: {  	s29 =	simm.s32 $0x9;
	_ =	strace $0x80000048  }
0xb9: {  	_ =	swait.ge [sflag:s29], $0x1  }
0xba: {  	[sflag:s29] =	ssyncadd.s32 $0xFFFFFFFF  }
0xbb: {  	_ =	strace $0x90000048  }
0xbc: {  	_ =	sfence  }
0xbd: {  	s30 =	sld [smem:$0x0];
	_ =	sdelay $0x2  }
0xbe: {  	s31 =	sshll.u32 s1, $0xD;
	s1 =	sshrl.u32 s1, $0x2  }
0xbf: {  	s3 =	sand.u32 $0x4000, s31;
	s1 =	sadd.s32 s1, s30  }
0xc0: {  	s0 =	sor.u32 s3, s0;
	s1 =	sshll.u32 s1, $0x11  }
0xc1: {  	s0 =	sor.u32 s1, s0  }
0xc2: {  	s0 =	sadd.s32 $0x8F2B, s0  }
0xc3: {  	[sflag:s0] =	ssyncadd.remote.s32 $0x1  }
0xc4: {  	_ =	sfence.sel $0xFFFF  }
0xc5: {  	[dreg:$0x0] =	wrdreg $0xFFFFFFFF;
	(pc) =	sbr.abs _section_cstart, $3  }
0xc6: {  	[dreg:$0x1] =	wrdreg $0xFFFFFFFF  }
0xc7: {  	_ =	task.clear_ibuf [dreg:s7], $0x2FFFF;
	_ =	strace $0x9FFFFFFF  }
0xc8: {  	(tm) =	ssettm $0x7FFFFFFF  }
0xc9: {  	_ =	shalt  }
tec
execute0_lowered:
.L_overlay_start_1:
0x0: {  	(tag) =	ssettag $0x1  }
0x1: {  	s5 =	rddreg [dreg:$0x0]  }
0x2: {  	s9 =	rddreg [dreg:$0x1]  }
0x3: {  	s0 =	rddreg [dreg:$0x2];
	s1 =	stileid.u32  }
0x4: {  	s3 =	srdreg.scid;
	s2 =	simm.s32 $0x0;
	s13 =	simm.s32 $0x4100  }
0x5: {  	s14 =	simm.s32 $0x8100;
	s15 =	simm.s32 $0xC100;
	s16 =	simm.s32 $0x1  }
0x6: {  	s17 =	simm.s32 $0x2;
	s18 =	simm.s32 $0x3;
	s19 =	simm.s32 $0x4  }
0x7: {  	s20 =	simm.s32 $0x0;
	s6 =	smul.u32 $0x3C000, s1;
	s4 =	sand.u32 $0x1, s3  }
0x8: {  	[smem:$0x7FF] =	sst s2;
	s10 =	smul.u32 $0x3C00, s1;
	s3 =	sadd.s32 $0x63200, s5  }
0x9: {  	s7 =	smul.u32 $0x1E000, s4;
	_ =	strace $0x80000047;
	s8 =	ssub.s32 $0x2, s4  }
0xa: {  	s12 =	smul.u32 $0x1E00, s4;
	s11 =	sshrl.u32 s8, $0x1;
	s6 =	sadd.s32 s6, s5  }
0xb: {  	s4 =	sadd.s32 $0x83200, s5;
	s28 =	ssub.s32 s8, s11;
	s7 =	sadd.s32 s7, s6  }
0xc: {  	s29 =	sadd.s32 s12, s10;
	s11 =	simm.s32 $0x80;
	s12 =	simm.s32 $0x100  }
0xd: {  	s5 =	smax.u32 s28, $0x1;
	s6 =	sadd.s32 $0xC3200, s7;
	s30 =	sor.u32 $0x80, s29  }
0xe: {  	s10 =	sshrl.u32 s29, $0x3;
	s7 =	sadd.s32 $0x483200, s7;
	s31 =	sshrl.u32 s30, $0x3  }
0xf: {  	s8 =	sadd.s32 s10, s9;
	s10 =	simm.s32 $0x5;
	s9 =	sadd.s32 s31, s9  }
.LBB2_1:
0x10: {  	[tilespmem:s2], [sflag:$0x5] =	stream.linear.gather [hbm4b:s8+s2], $0x80, $0x38;
	[tilespmem:$0x10100] =	vst v63  }
0x11: {  	_ =	swait.ge [sflag:s10], $0x80  }
0x12: {  	[sflag:s10] =	ssyncset.done $0x0  }
0x13: {  	[sflag:s10] =	ssyncadd.s32 $0xFFFFFF80  }
0x14: {  	[tilespmem:s12], [sflag:$0x1] =	stream.indirect.gather [hbm4b:s3+s11], $0x80, s2, s11, $0xb8;
	[tilespmem:$0x10100] =	vst v63  }
0x15: {  	_ = 	snop  }
0x16: {  	[tilespmem:s13], [sflag:$0x1] =	stream.indirect.gather [hbm4b:s4+s11], $0x80, s2, s11, $0xb8;
	[tilespmem:$0x10100] =	vst v63  }
0x17: {  	_ = 	snop  }
0x18: {  	[tilespmem:s11], [sflag:$0x5] =	stream.linear.gather [hbm4b:s9+s2], $0x80, $0x38;
	[tilespmem:$0x10100] =	vst v63  }
0x19: {  	_ =	swait.ge [sflag:s10], $0x80  }
0x1a: {  	[sflag:s10] =	ssyncset.done $0x0  }
0x1b: {  	[sflag:s10] =	ssyncadd.s32 $0xFFFFFF80  }
0x1c: {  	[tilespmem:s14], [sflag:$0x2] =	stream.indirect.gather [hbm4b:s3+s11], $0x80, s11, s11, $0xb8;
	[tilespmem:$0x10100] =	vst v63  }
0x1d: {  	_ = 	snop  }
0x1e: {  	[tilespmem:s15], [sflag:$0x2] =	stream.indirect.gather [hbm4b:s4+s11], $0x80, s11, s11, $0xb8;
	[tilespmem:$0x10100] =	vst v63  }
0x1f: {  	_ =	swait.ge [sflag:s16], $0x4000  }
0x20: {  	[sflag:s16] =	ssyncset.done $0x0  }
0x21: {  	[sflag:s16] =	ssyncadd.s32 $0xFFFFC000  }
0x22: {  	_ =	swait.ge [sflag:s16], $0x4000  }
0x23: {  	[sflag:s16] =	ssyncset.done $0x0  }
0x24: {  	s21 =	sadd.s32 $0x0, s6;
	[sflag:s16] =	ssyncadd.s32 $0xFFFFC000  }
0x25: {  	[hbm4b:s21+s2] =	stream.linear.scatter [tilespmem:s12], [sflag:$0x3], $0x4000, $0x38;
	[tilespmem:$0x10100] =	vst v63  }
0x26: {  	s22 =	sadd.s32 $0x0, s7  }
0x27: {  	[hbm4b:s22+s2] =	stream.linear.scatter [tilespmem:s13], [sflag:$0x3], $0x4000, $0x38;
	[tilespmem:$0x10100] =	vst v63  }
0x28: {  	_ =	swait.ge [sflag:s17], $0x4000  }
0x29: {  	[sflag:s17] =	ssyncset.done $0x0  }
0x2a: {  	[sflag:s17] =	ssyncadd.s32 $0xFFFFC000  }
0x2b: {  	_ =	swait.ge [sflag:s17], $0x4000  }
0x2c: {  	[sflag:s17] =	ssyncset.done $0x0  }
0x2d: {  	s21 =	sadd.s32 $0x800, s21;
	[sflag:s17] =	ssyncadd.s32 $0xFFFFC000  }
0x2e: {  	[hbm4b:s21+s2] =	stream.linear.scatter [tilespmem:s14], [sflag:$0x4], $0x4000, $0x38;
	[tilespmem:$0x10100] =	vst v63  }
0x2f: {  	s31 =	sadd.s32 $0x800, s22  }
0x30: {  	[hbm4b:s31+s2] =	stream.linear.scatter [tilespmem:s15], [sflag:$0x4], $0x4000, $0x38;
	[tilespmem:$0x10100] =	vst v63  }
0x31: {  	_ =	swait.ge [sflag:s18], $0x4000  }
0x32: {  	[sflag:s18] =	ssyncset.done $0x0  }
0x33: {  	[sflag:s18] =	ssyncadd.s32 $0xFFFFC000  }
0x34: {  	_ =	swait.ge [sflag:s18], $0x4000  }
0x35: {  	[sflag:s18] =	ssyncset.done $0x0  }
0x36: {  	[sflag:s18] =	ssyncadd.s32 $0xFFFFC000  }
0x37: {  	_ =	swait.ge [sflag:s19], $0x4000  }
0x38: {  	[sflag:s19] =	ssyncset.done $0x0  }
0x39: {  	[sflag:s19] =	ssyncadd.s32 $0xFFFFC000  }
0x3a: {  	s23 =	smov.u32 s9;
	_ =	swait.ge [sflag:s19], $0x4000  }
0x3b: {  	s22 =	smov.u32 s8;
	s21 =	simm.s32 $0x1000;
	[sflag:s19] =	ssyncset.done $0x0  }
.LBB2_2:
0x3c: {  	[sflag:s19] =	ssyncadd.s32 $0xFFFFC000  }
0x3d: {  	s22 =	sadd.s32 $0x20, s22;
	s23 =	sadd.s32 $0x20, s23;
	s24 =	smov.u32 s21  }
0x3e: {  	[tilespmem:s2], [sflag:$0x5] =	stream.linear.gather [hbm4b:s22+s2], $0x80, $0x38;
	[tilespmem:$0x10100] =	vst v63  }
0x3f: {  	p0 =	sne.s32 s21, $0x1D000;
	s21 =	sadd.s32 $0x1000, s21;
	_ =	swait.ge [sflag:s10], $0x80  }
0x40: {  	[sflag:s10] =	ssyncset.done $0x0  }
0x41: {  	[sflag:s10] =	ssyncadd.s32 $0xFFFFFF80  }
0x42: {  	[tilespmem:s12], [sflag:$0x1] =	stream.indirect.gather [hbm4b:s3+s11], $0x80, s2, s11, $0xb8;
	[tilespmem:$0x10100] =	vst v63  }
0x43: {  	_ = 	snop  }
0x44: {  	[tilespmem:s13], [sflag:$0x1] =	stream.indirect.gather [hbm4b:s4+s11], $0x80, s2, s11, $0xb8;
	[tilespmem:$0x10100] =	vst v63  }
0x45: {  	_ = 	snop  }
0x46: {  	[tilespmem:s11], [sflag:$0x5] =	stream.linear.gather [hbm4b:s23+s2], $0x80, $0x38;
	[tilespmem:$0x10100] =	vst v63  }
0x47: {  	_ =	swait.ge [sflag:s10], $0x80  }
0x48: {  	[sflag:s10] =	ssyncset.done $0x0  }
0x49: {  	[sflag:s10] =	ssyncadd.s32 $0xFFFFFF80  }
0x4a: {  	[tilespmem:s14], [sflag:$0x2] =	stream.indirect.gather [hbm4b:s3+s11], $0x80, s11, s11, $0xb8;
	[tilespmem:$0x10100] =	vst v63  }
0x4b: {  	_ = 	snop  }
0x4c: {  	[tilespmem:s15], [sflag:$0x2] =	stream.indirect.gather [hbm4b:s4+s11], $0x80, s11, s11, $0xb8;
	[tilespmem:$0x10100] =	vst v63  }
0x4d: {  	_ =	swait.ge [sflag:s16], $0x4000  }
0x4e: {  	[sflag:s16] =	ssyncset.done $0x0  }
0x4f: {  	[sflag:s16] =	ssyncadd.s32 $0xFFFFC000  }
0x50: {  	_ =	swait.ge [sflag:s16], $0x4000  }
0x51: {  	[sflag:s16] =	ssyncset.done $0x0  }
0x52: {  	s25 =	sadd.s32 s24, s6;
	[sflag:s16] =	ssyncadd.s32 $0xFFFFC000  }
0x53: {  	[hbm4b:s25+s2] =	stream.linear.scatter [tilespmem:s12], [sflag:$0x3], $0x4000, $0x38;
	[tilespmem:$0x10100] =	vst v63  }
0x54: {  	s24 =	sadd.s32 s24, s7  }
0x55: {  	[hbm4b:s24+s2] =	stream.linear.scatter [tilespmem:s13], [sflag:$0x3], $0x4000, $0x38;
	[tilespmem:$0x10100] =	vst v63  }
0x56: {  	_ =	swait.ge [sflag:s17], $0x4000  }
0x57: {  	[sflag:s17] =	ssyncset.done $0x0  }
0x58: {  	[sflag:s17] =	ssyncadd.s32 $0xFFFFC000  }
0x59: {  	_ =	swait.ge [sflag:s17], $0x4000  }
0x5a: {  	[sflag:s17] =	ssyncset.done $0x0  }
0x5b: {  	s25 =	sadd.s32 $0x800, s25;
	[sflag:s17] =	ssyncadd.s32 $0xFFFFC000  }
0x5c: {  	[hbm4b:s25+s2] =	stream.linear.scatter [tilespmem:s14], [sflag:$0x4], $0x4000, $0x38;
	[tilespmem:$0x10100] =	vst v63  }
0x5d: {  	s24 =	sadd.s32 $0x800, s24  }
0x5e: {  	[hbm4b:s24+s2] =	stream.linear.scatter [tilespmem:s15], [sflag:$0x4], $0x4000, $0x38;
	[tilespmem:$0x10100] =	vst v63  }
0x5f: {  	_ =	swait.ge [sflag:s18], $0x4000  }
0x60: {  	[sflag:s18] =	ssyncset.done $0x0  }
0x61: {  	[sflag:s18] =	ssyncadd.s32 $0xFFFFC000  }
0x62: {  	_ =	swait.ge [sflag:s18], $0x4000  }
0x63: {  	[sflag:s18] =	ssyncset.done $0x0  }
0x64: {  	[sflag:s18] =	ssyncadd.s32 $0xFFFFC000  }
.Ltmp0:
0x65: {  	_ =	swait.ge [sflag:s19], $0x4000;
	(pc) =	sbr.rel @p0 .LBB2_2-.Ltmp0, $4  }
0x66: {  	[sflag:s19] =	ssyncset.done $0x0  }
0x67: {  	[sflag:s19] =	ssyncadd.s32 $0xFFFFC000  }
0x68: {  	_ =	swait.ge [sflag:s19], $0x4000  }
0x69: {  	[sflag:s19] =	ssyncset.done $0x0  }
0x6a: {  	s20 =	sadd.s32 $0x1, s20  }
0x6b: {  	p0 =	sne.s32 s20, s5  }
.Ltmp1:
0x6c: {  	_ = 	snop;
	(pc) =	sbr.rel @p0 .LBB2_1-.Ltmp1, $2  }
0x6d: {  	_ =	sdelay $0x2  }
0x6e: {  	[sflag:s19] =	ssyncadd.s32 $0xFFFFC000  }
0x6f: {  	_ =	sfence.sel $0x180000  }
0x70: {  	[bflag:$0x0] =	sbarrier.arrive $0xFFFF  }
0x71: {  	p0 =	sne.s32 s1, $0x0;
	_ =	strace $0x90000047  }
0x72: {  	s0 =	sadd.s32 @!p0 $0x100000, s0;
	[bflag:$0x2] =	sbarrier.arrive $0xFFFF  }
0x73: {  	[sflag:s0] =	ssyncadd.tile.s32 @!p0 $0x1;
	_ =	shalt  }
.Lfunc_end2:
_tile_overlayer_lowered:
.L_overlay_start_2:
0x74: {  	(tag) =	ssettag $0x2  }
0x75: {  	s0 =	rddreg [dreg:$0x0];
	s2 =	stileid.u32  }
0x76: {  	s1 =	rddreg [dreg:$0x1];
	p0 =	sne.s32 s2, $0x0  }
0x77: {  	s3 =	rddreg [dreg:$0x2];
	[bflag:$0x3] =	sbarrier.arrive $0xFFFF;
	s2 =	simm.s32 @!p0 $0x1C05  }
0x78: {  	[timem:s3], [sflag:s2] =	dma.local @!p0 [hbm:s0], s1  }
0x79: {  	s0 =	simm.s32 @!p0 $0x5  }
0x7a: {  	_ =	swait.ge @!p0 [sflag:s0], s1  }
0x7b: {  	s1 =	ssub.s32 @!p0 $0x0, s1;
	[sflag:s0] =	ssyncset.done @!p0 $0x0  }
0x7c: {  	[sflag:s0] =	ssyncadd.s32 @!p0 s1  }
0x7d: {  	[bflag:$0x3] =	sbarrier.arrive $0xFFFF  }
0x7e: {  	_ =	shalt  }

// kernel: sparse-core-data-format-call.cloned.1.call-start
scs
called_computation_lowered:
.L_overlay_start_0:
0x0: {  	s2 =	sld [smem:$0x3FD9]  }
0x1: {  	s3 =	sld [smem:$0x3FFE];
	_ =	sdelay $0x1  }
0x2: {  	s1 =	srdreg.scid  }
0x3: {  	s0 =	sand.u32 $0x1, s1  }
0x4: {  	s15 =	sshll.u32 s0, $0xA;
	s2 =	sadd.s32 s3, s2  }
0x5: {  	s2 =	sadd.s32 s2, s15  }
0x6: {  	[smem:$0x3FC0] =	sst s2  }
0x7: {  	_ = 	snop  }
0x8: {  	s2 =	sld [smem:$0x3FD0];
	_ =	sdelay $0x2  }
0x9: {  	s16 =	simm.s32 $0xA;
	s4 =	simm.s32 $0x10  }
0xa: {  	[smem:s4], [sflag:s16] =	dma.local [hbm:s2], $0x1  }
0xb: {  	_ =	swait.eq [sflag:s16], $0x1  }
0xc: {  	[sflag:s16] =	ssyncset.done $0x0  }
0xd: {  	[sflag:s16] =	ssyncadd.s32 $0xFFFFFFFF  }
0xe: {  	s17 =	sld [smem:$0x11];
	(tm) =	ssettm $0x1  }
0xf: {  	s18 =	sld [smem:$0x3FFB];
	_ =	sdelay $0x3  }
0x10: {  	_ =	strace s18  }
0x11: {  	s3 =	sld [smem:$0x3FFC];
	_ =	sdelay $0x3  }
0x12: {  	_ =	strace s3  }
0x13: {  	s3 =	sld [smem:$0x3FFD];
	_ =	sdelay $0x3  }
0x14: {  	_ =	strace s3  }
0x15: {  	_ =	strace $0x8FFFFFFF  }
0x16: {  	s19 =	sld [smem:$0x3FDB];
	_ =	sdelay $0x1  }
0x17: {  	s20 =	simm.s32 $_scs_section_size  }
0x18: {  	s5 =	simm.s32 $_size__tile_overlayer_lowered;
	s6 =	simm.s32 $_tile_overlayer_lowered  }
0x19: {  	s23 =	simm.s32 $0x1BFF;
	s22 =	sshll.u32 s6, $0x1;
	s3 =	sadd.s32 s20, s19  }
0x1a: {  	s7 =	simm.s32 $0x0;
	s21 =	sshll.u32 s5, $0x1;
	s5 =	sadd.s32 s22, s3  }
0x1b: {  	[timem:s7], [sflag:s23] =	dma.local [hbm:s5], s21  }
0x1c: {  	_ =	swait.ge [sflag:s23], s21  }
0x1d: {  	s4 =	ssub.s32 $0x0, s21;
	[sflag:s23] =	ssyncset.done $0x0  }
0x1e: {  	[sflag:s23] =	ssyncadd.s32 s4;
	_ =	sdelay $0x1  }
0x1f: {  	s24 =	simm.s32 $0x1B8B  }
0x20: {  	_ =	swait.ge [sflag:s24], $0x1  }
0x21: {  	[sflag:s24] =	ssyncset.done $0x0  }
0x22: {  	s26 =	simm.s32 $0x1B8E;
	s25 =	sld [smem:$0x3FFE];
	[sflag:s24] =	ssyncadd.s32 $0xFFFFFFFF  }
0x23: {  	s27 =	simm.s32 $execute0_lowered;
	[smem:$0x3FD2] =	sst s26  }
0x24: {  	s5 =	sshll.u32 s27, $0x1;
	_ =	strace $0x80000049;
	[dreg:$0x1] =	wrdreg $0xFFFFFFFF  }
0x25: {  	s28 =	simm.s32 $_size_execute0_lowered;
	s3 =	sadd.s32 s3, s5;
	[dreg:$0x0] =	wrdreg $0x0  }
0x26: {  	s5 =	sshll.u32 s28, $0x1;
	[dreg:$0x2] =	wrdreg s3  }
0x27: {  	[dreg:$0x3] =	wrdreg s5  }
0x28: {  	[dreg:$0x4] =	wrdreg $0xC0  }
0x29: {  	_ =	task [dreg:s7], $0x5FFFF  }
0x2a: {  	[dreg:$0x1] =	wrdreg $0xFFFFFFFF  }
0x2b: {  	[dreg:$0x0] =	wrdreg $0x60  }
0x2c: {  	[dreg:$0x2] =	wrdreg s25  }
0x2d: {  	[dreg:$0x3] =	wrdreg s17  }
0x2e: {  	[dreg:$0x4] =	wrdreg $0x9  }
0x2f: {  	_ =	task.clear_ibuf [dreg:s7], $0x5FFFF;
	_ =	strace $0x90000049  }
0x30: {  	s29 =	simm.s32 $0x9;
	_ =	strace $0x8000004B  }
0x31: {  	_ =	swait.ge [sflag:s29], $0x1  }
0x32: {  	[sflag:s29] =	ssyncadd.s32 $0xFFFFFFFF  }
0x33: {  	_ =	strace $0x9000004B  }
0x34: {  	_ =	sfence  }
0x35: {  	s30 =	sld [smem:$0x0];
	_ =	sdelay $0x2  }
0x36: {  	s31 =	sshll.u32 s1, $0xD;
	s1 =	sshrl.u32 s1, $0x2  }
0x37: {  	s3 =	sand.u32 $0x4000, s31;
	s1 =	sadd.s32 s1, s30  }
0x38: {  	s0 =	sor.u32 s3, s0;
	s1 =	sshll.u32 s1, $0x11  }
0x39: {  	s0 =	sor.u32 s1, s0  }
0x3a: {  	s0 =	sadd.s32 $0x8F2B, s0  }
0x3b: {  	[sflag:s0] =	ssyncadd.remote.s32 $0x1  }
0x3c: {  	_ =	sfence.sel $0xFFFF  }
0x3d: {  	[dreg:$0x0] =	wrdreg $0xFFFFFFFF;
	(pc) =	sbr.abs _section_cstart, $3  }
0x3e: {  	[dreg:$0x1] =	wrdreg $0xFFFFFFFF  }
0x3f: {  	_ =	task.clear_ibuf [dreg:s7], $0x2FFFF;
	_ =	strace $0x9FFFFFFF  }
0x40: {  	(tm) =	ssettm $0x7FFFFFFF  }
0x41: {  	_ =	shalt  }
tec
execute0_lowered:
.L_overlay_start_1:
0x0: {  	(tag) =	ssettag $0x1  }
0x1: {  	s0 =	stileid.u32;
	s1 =	srdreg.scid  }
0x2: {  	s5 =	rddreg [dreg:$0x0];
	s2 =	sshll.u32 s0, $0x4;
	s1 =	sshll.u32 s1, $0x8  }
0x3: {  	s3 =	rddreg [dreg:$0x1];
	s6 =	simm.s32 $0x1;
	s1 =	sor.u32 s2, s1  }
0x4: {  	s8 =	simm.s32 $0x2;
	s15 =	simm.s32 $0x0;
	s2 =	sand.u32 $0x1C0, s1  }
0x5: {  	s9 =	simm.s32 $0x2000;
	s10 =	simm.s32 $0x40000;
	s4 =	ssub.s32 $0x800, s2  }
0x6: {  	s16 =	simm.s32 $0x0;
	s17 =	simm.s32 $0x0;
	s31 =	sand.u32 $0x1C0, s4  }
0x7: {  	s11 =	simm.s32 $0x0;
	s7 =	sand.u32 $0x3, s0;
	p0 =	sne.s32 s31, $0x0  }
.Ltmp0:
0x8: {  	s4 =	sshrl.u32 s4, $0x9;
	s6 =	simm.s32 @!p0 $0x0;
	(pc) =	sbr.rel .LBB1_1-.Ltmp0, $4  }
0x9: {  	s1 =	rddreg [dreg:$0x2];
	_ =	strace $0x8000004A;
	s6 =	sadd.s32 s6, s4  }
0xa: {  	s4 =	sadd.s32 $0x23200, s5;
	s5 =	simm.s32 $0x1;
	s6 =	smul.u32 $0xF, s6  }
0xb: {  	s14 =	simm.s32 $0x0;
	s13 =	smov.u32 s7;
	[sflag:s5] =	ssyncpa.u1 $0x0  }
0xc: {  	s12 =	smov.u32 s2;
	[sflag:s8] =	ssyncpa.u1 $0x0;
	s8 =	sadd.s32 $0x1, s6  }
.LBB1_7:
0xd: {  	s18 =	sadd.s32 $0x2, s11  }
0xe: {  	s15 =	sadd.s32 $0x200, s12;
	s19 =	smov.u32 s12;
	p1 =	sgt.s32 s18, $0x1D  }
0xf: {  	s19 =	smov.u32 @p1 s15  }
0x10: {  	s21 =	smov.u32 s13;
	s15 =	sadd.s32 $0x4, s13;
	p2 =	sgt.s32 s19, $0x7FF  }
0x11: {  	s21 =	smov.u32 @p2 s15  }
0x12: {  	s18 =	simm.s32 @p1 $0x0;
	p1 =	sgt.s32 s21, $0x3  }
0x13: {  	p0 =	slt.u32 s14, $0x2;
	s21 =	smov.u32 @p1 s7;
	p1 =	sne.s32 s14, s8  }
.Ltmp1:
0x14: {  	s20 =	simm.s32 @!p0 $0x2;
	(pc) =	sbr.rel @!p1 .LBB1_8-.Ltmp1, $4  }
0x15: {  	s16 =	smov.u32 s12;
	_ =	swait.ge @!p0 [sflag:s20], $0x4000  }
0x16: {  	s17 =	smov.u32 s13;
	[sflag:s20] =	ssyncset.done @!p0 $0x0;
	s19 =	smov.u32 @p2 s2  }
0x17: {  	s15 =	smov.u32 s11;
	[sflag:s20] =	ssyncadd.s32 @!p0 $0xFFFFC000;
	s11 =	smov.u32 s18  }
0x18: {  	s12 =	smov.u32 s19;
	s14 =	sadd.s32 $0x1, s14;
	s13 =	smov.u32 s21  }
.LBB1_1:
0x19: {  	p0 =	sge.u32 s14, s6;
	s31 =	sadd.s32 $0xFFFFFFFF, s14  }
0x1a: {  	s18 =	sxor.u32 @!p0 $0xFFFFFFFF, s14;
	s19 =	sshll.u32 @!p0 s13, $0x14;
	s20 =	sshll.u32 @!p0 s12, $0x9  }
0x1b: {  	s21 =	sshll.u32 @!p0 s11, $0x4;
	s18 =	sshll.u32 @!p0 s18, $0xE;
	s19 =	sadd.s32 @!p0 s4, s19  }
0x1c: {  	s21 =	sand.u32 @!p0 $0x1F0, s21;
	s18 =	sand.u32 @!p0 $0x4000, s18;
	s19 =	sadd.s32 @!p0 s20, s19  }
0x1d: {  	s20 =	simm.s32 @!p0 $0x100;
	s19 =	sadd.s32 @!p0 s21, s19;
	s21 =	simm.s32 @!p0 $0x1000  }
0x1e: {  	[tilespmem:s18], [sflag:$0x1] =	stream.strided.gather @!p0 [hbm4b:s19+s20], $0x4000, s21, s20, $0x38;
	[tilespmem:$0x10000] =	vst v63  }
0x1f: {  	p0 =	sge.u32 s31, s6  }
.Ltmp2:
0x20: {  	_ = 	snop;
	(pc) =	sbr.rel @p0 .LBB1_7-.Ltmp2, $1  }
0x21: {  	_ =	sdelay $0x3  }
0x22: {  	_ =	swait.ge [sflag:s5], $0x4000;
	s18 =	sshll.u32 s14, $0xE  }
0x23: {  	[sflag:s5] =	ssyncset.done $0x0;
	s19 =	sand.u32 $0x4000, s18  }
0x24: {  	s20 =	simm.s32 $0x0;
	[sflag:s5] =	ssyncadd.s32 $0xFFFFC000;
	s18 =	sor.u32 $0x8000, s19  }
.LBB1_3:
0x25: {  	s21 =	sshll.u32 s20, $0x8  }
0x26: {  	s21 =	sand.u32 $0x3FFFFF00, s21  }
0x27: {  	s22 =	sshll.u32 s20, $0x7;
	s21 =	sadd.s32 s21, s19  }
0x28: {  	s22 =	sand.u32 $0x3FFFFF80, s22;
	v0 =	vmov s21  }
0x29: {  	s22 =	sadd.s32 s22, s18  }
0x2a: {  	p0 =	por $0x1, $0x1;
	v1 =	vmov s22;
	s21 =	simm.s32 $0x0  }
.LBB1_4:
0x2b: {  	s22 =	sshll.u32 s21, $0x7  }
0x2c: {  	s22 =	sand.u32 $0x3FFFFF80, s22  }
0x2d: {  	v2 =	vld.idx.msk [tilespmem:v0+s22+$0x0 ss:$0x1], $0xffff  }
0x2e: {  	v3 =	vld.idx.msk [tilespmem:v0+s22+$0x10 ss:$0x1], $0xffff  }
0x2f: {  	v4 =	vld.idx.msk [tilespmem:v0+s22+$0x20 ss:$0x1], $0xffff  }
0x30: {  	s31 =	sshll.u32 s21, $0xD;
	v5 =	vld.idx.msk [tilespmem:v0+s22+$0x30 ss:$0x1], $0xffff  }
0x31: {  	s21 =	sand.u32 $0x3FFFE000, s31;
	v6 =	vld.idx.msk [tilespmem:v0+s22+$0x40 ss:$0x1], $0xffff  }
0x32: {  	v63 =	vld.idx.msk [tilespmem:v0+s22+$0x70 ss:$0x1], $0xffff;
	[tilespmem:v1+s21+$0x0 ss:$0x1] =	vst.idx.msk $0xffff, v2  }
0x33: {  	v2 =	vld.idx.msk [tilespmem:v0+s22+$0x50 ss:$0x1], $0xffff;
	[tilespmem:v1+s21+$0x10 ss:$0x1] =	vst.idx.msk $0xffff, v3  }
0x34: {  	p1 =	por p0, p0;
	v3 =	vld.idx.msk [tilespmem:v0+s22+$0x60 ss:$0x1], $0xffff;
	[tilespmem:v1+s21+$0x20 ss:$0x1] =	vst.idx.msk $0xffff, v4  }
.Ltmp3:
0x35: {  	[tilespmem:v1+s21+$0x30 ss:$0x1] =	vst.idx.msk $0xffff, v5;
	(pc) =	sbr.rel @p1 .LBB1_4-.Ltmp3, $4  }
0x36: {  	[tilespmem:v1+s21+$0x40 ss:$0x1] =	vst.idx.msk $0xffff, v6  }
0x37: {  	[tilespmem:v1+s21+$0x70 ss:$0x1] =	vst.idx.msk $0xffff, v63  }
0x38: {  	[tilespmem:v1+s21+$0x50 ss:$0x1] =	vst.idx.msk $0xffff, v2  }
0x39: {  	p0 =	por $0x0, $0x0;
	[tilespmem:v1+s21+$0x60 ss:$0x1] =	vst.idx.msk $0xffff, v3;
	s21 =	simm.s32 $0x1  }
0x3a: {  	s20 =	sadd.s32 $0x1, s20  }
0x3b: {  	p0 =	sne.s32 s20, $0x40  }
.Ltmp4:
0x3c: {  	_ = 	snop;
	(pc) =	sbr.rel @p0 .LBB1_3-.Ltmp4, $1  }
0x3d: {  	_ =	sdelay $0x3  }
0x3e: {  	s17 =	smul.u32 $0xF0000, s17  }
.Ltmp5:
0x3f: {  	_ = 	snop;
	(pc) =	sbr.rel .LBB1_7-.Ltmp5, $4  }
0x40: {  	s15 =	sshll.u32 s15, $0xF;
	s16 =	sshll.u32 s16, $0x4;
	s17 =	sadd.s32 s3, s17  }
0x41: {  	s16 =	sand.u32 $0x7FF0, s16;
	s15 =	sadd.s32 s15, s17  }
0x42: {  	s15 =	sadd.s32 s16, s15  }
0x43: {  	[hbm4b:s15+s9] =	stream.strided.scatter [tilespmem:s18], [sflag:$0x2], $0x4000, s10, s9, $0x38;
	[tilespmem:$0x10000] =	vst v63  }
.LBB1_8:
0x44: {  	_ =	sfence.sel $0x180000  }
0x45: {  	s2 =	simm.s32 $0x1;
	[bflag:$0x0] =	sbarrier.arrive $0xFFFF  }
0x46: {  	s31 =	simm.s32 $0x2;
	[sflag:s2] =	ssyncpa.u1 $0x1  }
0x47: {  	[sflag:s31] =	ssyncpa.u1 $0x1  }
0x48: {  	p0 =	sne.s32 s0, $0x0;
	_ =	strace $0x9000004A  }
0x49: {  	s0 =	sadd.s32 @!p0 $0x100000, s1;
	[bflag:$0x2] =	sbarrier.arrive $0xFFFF  }
0x4a: {  	[sflag:s0] =	ssyncadd.tile.s32 @!p0 $0x1;
	_ =	shalt  }
.Lfunc_end1:
_tile_overlayer_lowered:
.L_overlay_start_2:
0x4b: {  	(tag) =	ssettag $0x2  }
0x4c: {  	s0 =	rddreg [dreg:$0x0];
	s2 =	stileid.u32  }
0x4d: {  	s1 =	rddreg [dreg:$0x1];
	p0 =	sne.s32 s2, $0x0  }
0x4e: {  	s3 =	rddreg [dreg:$0x2];
	[bflag:$0x3] =	sbarrier.arrive $0xFFFF;
	s2 =	simm.s32 @!p0 $0x1C01  }
0x4f: {  	[timem:s3], [sflag:s2] =	dma.local @!p0 [hbm:s0], s1  }
0x50: {  	s0 =	simm.s32 @!p0 $0x1  }
0x51: {  	_ =	swait.ge @!p0 [sflag:s0], s1  }
0x52: {  	s1 =	ssub.s32 @!p0 $0x0, s1;
	[sflag:s0] =	ssyncset.done @!p0 $0x0  }
0x53: {  	[sflag:s0] =	ssyncadd.s32 @!p0 s1  }
0x54: {  	[bflag:$0x3] =	sbarrier.arrive $0xFFFF  }
0x55: {  	_ =	shalt  }

</sc_bundles>
